<compile_context>
chip_gen: v7x
topology: tpu7x:2x2x1
jax: 0.10.2.dev20260603
libtpu: 0.0.44.dev20260713+nightly
codegen_flags: <defaults>
</compile_context>

<pallas_src>
import functools

import jax
import jax.numpy as jnp
from jax import lax
from jax.experimental import pallas as pl
from jax.experimental.pallas import tpu as pltpu
from jax.experimental.pallas import tpu_sc as plsc

N = 10000
E = 320000
D = 128
NC, NS = 2, 16
NW = NC * NS
EPW = E // NW
K = 100
NCHUNK = EPW // K
SCH = 50
NSEC = NCHUNK // SCH
NPAD = 10240
RPT = NPAD // NS
ZB = 80


def _sc_aggregate(x, row4, col4):
    mesh = plsc.VectorSubcoreMesh(core_axis_name="c", subcore_axis_name="s")

    @functools.partial(
        pl.kernel,
        out_type=(
            jax.ShapeDtypeStruct((NC, NPAD, D), jnp.float32),
            jax.ShapeDtypeStruct((NC, NPAD), jnp.float32),
        ),
        mesh=mesh,
        scratch_types=[
            pltpu.VMEM_SHARED((NPAD, D), jnp.float32),
            pltpu.VMEM_SHARED((NPAD,), jnp.float32),
            pltpu.VMEM((SCH, K), jnp.int32),
            pltpu.VMEM((SCH, K), jnp.int32),
            pltpu.VMEM((K, D), jnp.float32),
            pltpu.VMEM((K, D), jnp.float32),
            pltpu.VMEM((K,), jnp.float32),
            pltpu.VMEM((RPT,), jnp.float32),
            pltpu.SemaphoreType.DMA,
            pltpu.SemaphoreType.DMA,
        ],
    )
    def agg_kernel(x_hbm, row_hbm, col_hbm, ones_hbm, agg_hbm, cnt_hbm,
                   agg_s, cnt_s, ridx, cidx, rows0, rows1, ones, zcnt,
                   sem0, sem1):
        c = lax.axis_index("c")
        s = lax.axis_index("s")
        wid = s * NC + c

        zv = jnp.zeros((16,), jnp.float32)

        pltpu.sync_copy(ones_hbm, ones)

        def _zc(i, carry):
            zcnt[pl.ds(i * 16, 16)] = zv
            return carry
        lax.fori_loop(0, RPT // 16, _zc, 0)

        def _zb(i, carry):
            for j in range(D // 16):
                rows0[i, pl.ds(j * 16, 16)] = zv
            return carry
        lax.fori_loop(0, K, _zb, 0)

        base_r = s * RPT
        for jb in range(RPT // ZB):
            pltpu.sync_copy(rows0.at[pl.ds(0, ZB), :],
                            agg_s.at[pl.ds(base_r + jb * ZB, ZB), :])
        pltpu.sync_copy(zcnt, cnt_s.at[pl.ds(base_r, RPT)])

        plsc.subcore_barrier()

        def _g_start(j, buf, sem):
            pltpu.async_copy(x_hbm.at[cidx.at[j]], buf, sem)

        def _g_wait(j, buf, sem):
            pltpu.make_async_copy(x_hbm.at[cidx.at[j]], buf, sem).wait()

        def _scat(j, buf):
            pltpu.sync_copy(buf, agg_s.at[ridx.at[j]], add=True)
            pltpu.sync_copy(ones, cnt_s.at[ridx.at[j]], add=True)

        def _sec(sec, carry):
            pltpu.sync_copy(row_hbm.at[wid, sec], ridx)
            pltpu.sync_copy(col_hbm.at[wid, sec], cidx)

            _g_start(0, rows0, sem0)

            def _pair(t, carry2):
                j0 = t * 2
                _g_start(j0 + 1, rows1, sem1)
                _g_wait(j0, rows0, sem0)
                _scat(j0, rows0)
                _g_start(j0 + 2, rows0, sem0)
                _g_wait(j0 + 1, rows1, sem1)
                _scat(j0 + 1, rows1)
                return carry2
            lax.fori_loop(0, (SCH - 2) // 2, _pair, 0)

            _g_start(SCH - 1, rows1, sem1)
            _g_wait(SCH - 2, rows0, sem0)
            _scat(SCH - 2, rows0)
            _g_wait(SCH - 1, rows1, sem1)
            _scat(SCH - 1, rows1)
            return carry
        lax.fori_loop(0, NSEC, _sec, 0)

        plsc.subcore_barrier()

        pltpu.sync_copy(agg_s.at[pl.ds(base_r, RPT), :],
                        agg_hbm.at[c, pl.ds(base_r, RPT), :])
        pltpu.sync_copy(cnt_s.at[pl.ds(base_r, RPT)],
                        cnt_hbm.at[c, pl.ds(base_r, RPT)])

    return agg_kernel(x, row4, col4, jnp.ones((K,), jnp.float32))


def _tc_body(x_ref, agg_ref, cnt_ref, w_ref, b_ref, g_ref, be_ref, out_ref):
    x = x_ref[...]
    agg = agg_ref[0, :N, :] + agg_ref[1, :N, :]
    cnt = cnt_ref[0, :N, :] + cnt_ref[1, :N, :]
    inv = 1.0 / (cnt + 1e-8)
    u = x + agg * inv
    y = lax.dot_general(u, w_ref[...], (((1,), (1,)), ((), ())),
                        preferred_element_type=jnp.float32)
    y = y + (1.0 + cnt * inv) * b_ref[...]
    mean = jnp.mean(y, axis=0, keepdims=True)
    yc = y - mean
    var = jnp.mean(yc * yc, axis=0, keepdims=True)
    out_ref[...] = yc * lax.rsqrt(var + 1e-5) * g_ref[...] + be_ref[...]


def kernel(x, edge_index, batch_size, W, b, gamma, beta):
    del batch_size
    ei = edge_index.astype(jnp.int32)
    row4 = ei[0].reshape(NW, NSEC, SCH, K)
    col4 = ei[1].reshape(NW, NSEC, SCH, K)
    agg, cnt = _sc_aggregate(x, row4, col4)
    cnt3 = cnt.reshape(NC, NPAD, 1)
    out = pl.pallas_call(
        _tc_body,
        out_shape=jax.ShapeDtypeStruct((N, D), jnp.float32),
    )(x, agg, cnt3, W, b.reshape(1, D), gamma.reshape(1, D),
      beta.reshape(1, D))
    return out

# --- scband reference (transcript-rebuilt; emitter-appended) ---
"""Pipeline reference for scband-graph-conv-layer-532575944843 (READ-ONLY COPY).

The authoritative reference and input builder live on the scoring server;
editing this copy changes nothing except your own understanding.
"""

import jax, jax.numpy as jnp
import numpy as np

N = 10000
E = 320000
D_IN = 128
D_OUT = 128

def setup_inputs(seed: int = 0) -> dict:
    key = jax.random.key(seed)
    k1, k2, k3, k4 = jax.random.split(key, 4)
    x = jax.random.normal(k1, (N, D_IN), dtype=jnp.float32)
    edge_index = jax.random.randint(k2, (2, E), 0, N, dtype=jnp.int64)
    # Linear params (torch nn.Linear default init style: uniform)
    bound = 1.0 / np.sqrt(D_IN)
    W = jax.random.uniform(k3, (D_OUT, D_IN), dtype=jnp.float32, minval=-bound, maxval=bound)
    b = jax.random.uniform(k4, (D_OUT,), dtype=jnp.float32, minval=-bound, maxval=bound)
    # BatchNorm1d affine params (torch defaults: weight=1, bias=0)
    gamma = jnp.ones((D_OUT,), dtype=jnp.float32)
    beta = jnp.zeros((D_OUT,), dtype=jnp.float32)
    batch_size = 1
    return {"x": x, "edge_index": edge_index, "batch_size": batch_size,
            "W": W, "b": b, "gamma": gamma, "beta": beta}

def reference(x, edge_index, batch_size, W, b, gamma, beta):
    # Linear
    h = x @ W.T + b
    row = edge_index[0]
    col = edge_index[1]
    num_nodes = h.shape[0]
    # mean aggregation of neighbor features: scatter-add then divide by count
    aggregated = jnp.zeros_like(h).at[row].add(jnp.take(h, col, axis=0))
    neighbor_count = jnp.zeros((num_nodes, 1), dtype=h.dtype).at[row].add(
        jnp.ones((edge_index.shape[1], 1), dtype=h.dtype))
    aggregated = aggregated / (neighbor_count + 1e-08)
    h = h + aggregated
    # BatchNorm1d in training mode: batch statistics (biased variance), eps=1e-5
    mean = jnp.mean(h, axis=0)
    var = jnp.mean((h - mean) ** 2, axis=0)
    h = (h - mean) / jnp.sqrt(var + 1e-05) * gamma + beta
    return h

if __name__ == "__main__":
    import jax
    _d = setup_inputs()
    print(jax.jit(kernel)(*tuple(_d.values())))

</pallas_src>

<mosaic_0001>
#map = affine_map<(d0, d1) -> (0, 0)>
#map1 = affine_map<(d0, d1) -> (0, 0, 0, 0)>
#map2 = affine_map<(d0, d1) -> (0)>
#map3 = affine_map<(d0, d1) -> (0, 0, 0)>
module attributes {stable_mosaic.version = 14 : i64} {
  func.func @agg_kernel(%arg0: i32, %arg1: i32, %arg2: memref<10000x128xf32, #tpu.memory_space<hbm>>, %arg3: memref<32x2x50x100xi32, #tpu.memory_space<hbm>>, %arg4: memref<32x2x50x100xi32, #tpu.memory_space<hbm>>, %arg5: memref<100xf32, #tpu.memory_space<hbm>>, %arg6: memref<2x10240x128xf32, #tpu.memory_space<hbm>>, %arg7: memref<2x10240xf32, #tpu.memory_space<hbm>>, %arg8: memref<10240x128xf32, #tpu.memory_space<vmem_shared>>, %arg9: memref<10240xf32, #tpu.memory_space<vmem_shared>>, %arg10: memref<50x100xi32, #tpu.memory_space<vmem>>, %arg11: memref<50x100xi32, #tpu.memory_space<vmem>>, %arg12: memref<100x128xf32, #tpu.memory_space<vmem>>, %arg13: memref<100x128xf32, #tpu.memory_space<vmem>>, %arg14: memref<100xf32, #tpu.memory_space<vmem>>, %arg15: memref<640xf32, #tpu.memory_space<vmem>>, %arg16: memref<!tpu.dma_semaphore, #tpu.memory_space<semaphore_mem>>, %arg17: memref<!tpu.dma_semaphore, #tpu.memory_space<semaphore_mem>>) attributes {dimension_semantics = [#tpu.dimension_semantics<core_parallel>, #tpu.dimension_semantics<subcore_parallel>], iteration_bounds = array<i64: 2, 16>, scalar_prefetch = 0 : i64, scratch_operands = 10 : i64, tpu.core_type = #tpu.core_type<sc_vector_subcore>, window_params = [{transform_indices = #map}, {transform_indices = #map1}, {transform_indices = #map1}, {transform_indices = #map2}, {transform_indices = #map3}, {transform_indices = #map}]} {
    %mul3A = arith.constant 2 : i32
    %mul3A_0 = arith.muli %arg1, %mul3A : i32
    %add3A = arith.addi %mul3A_0, %arg0 : i32
    %broadcast_in_dim3A = arith.constant 0.000000e+00 : f32
    %broadcast_in_dim3A_1 = vector.broadcast %broadcast_in_dim3A : f32 to vector<16xf32>
    "tpu.region"() ({
      %run_scoped3A = tpu.sem_alloc : memref<!tpu.dma_semaphore, #tpu.memory_space<semaphore_mem>>
      tpu.enqueue_dma source(%arg5 : memref<100xf32, #tpu.memory_space<hbm>>) target(%arg14 : memref<100xf32, #tpu.memory_space<vmem>>) target_semaphore(%run_scoped3A : memref<!tpu.dma_semaphore, #tpu.memory_space<semaphore_mem>>)
      tpu.wait_dma2 semaphore(%run_scoped3A : memref<!tpu.dma_semaphore, #tpu.memory_space<semaphore_mem>>) src(%arg5 : memref<100xf32, #tpu.memory_space<hbm>>) dst(%arg14 : memref<100xf32, #tpu.memory_space<vmem>>)
      tpu.yield
    }) : () -> ()
    %scan3A = arith.constant 0 : i32
    %scan3A_2 = arith.constant 0 : i32
    %scan3A_3 = arith.constant 40 : i32
    %scan3A_4 = arith.addi %scan3A_2, %scan3A_3 : i32
    %scan3A_5 = arith.constant 1 : i32
    scf.for %scan3A_38 = %scan3A_2 to %scan3A_4 step %scan3A_5  : i32 {
      %mul3A_39 = arith.constant 16 : i32
      %mul3A_40 = arith.muli %scan3A_38, %mul3A_39 : i32
      %swap3A = arith.index_cast %mul3A_40 : i32 to index
      %swap3A_41 = tpu.vector_load %arg15[%swap3A] {strides = array<i32>} : memref<640xf32, #tpu.memory_space<vmem>>, vector<16xf32>,
      %swap3A_42 = vector.shape_cast %swap3A_41 : vector<16xf32> to vector<16xf32>
      %swap3A_43 = vector.shape_cast %broadcast_in_dim3A_1 : vector<16xf32> to vector<16xf32>
      tpu.vector_store %arg15[%swap3A], %swap3A_43 {strides = array<i32>} : memref<640xf32, #tpu.memory_space<vmem>>, vector<16xf32>,
    }
    %scan3A_6 = arith.constant 40 : i32
    %scan3A_7 = arith.constant 0 : i32
    %scan3A_8 = arith.constant 0 : i32
    %scan3A_9 = arith.constant 100 : i32
    %scan3A_10 = arith.addi %scan3A_8, %scan3A_9 : i32
    %scan3A_11 = arith.constant 1 : i32
    scf.for %scan3A_38 = %scan3A_8 to %scan3A_10 step %scan3A_11  : i32 {
      %swap3A = arith.index_cast %scan3A_38 : i32 to index
      %swap3A_39 = arith.constant 0 : index
      %swap3A_40 = tpu.vector_load %arg12[%swap3A, %swap3A_39] {strides = array<i32>} : memref<100x128xf32, #tpu.memory_space<vmem>>, vector<1x16xf32>,
      %swap3A_41 = vector.shape_cast %swap3A_40 : vector<1x16xf32> to vector<16xf32>
      %swap3A_42 = vector.shape_cast %broadcast_in_dim3A_1 : vector<16xf32> to vector<1x16xf32>
      tpu.vector_store %arg12[%swap3A, %swap3A_39], %swap3A_42 {strides = array<i32>} : memref<100x128xf32, #tpu.memory_space<vmem>>, vector<1x16xf32>,
      %swap3A_43 = arith.index_cast %scan3A_38 : i32 to index
      %swap3A_44 = arith.constant 16 : index
      %swap3A_45 = tpu.vector_load %arg12[%swap3A_43, %swap3A_44] {strides = array<i32>} : memref<100x128xf32, #tpu.memory_space<vmem>>, vector<1x16xf32>,
      %swap3A_46 = vector.shape_cast %swap3A_45 : vector<1x16xf32> to vector<16xf32>
      %swap3A_47 = vector.shape_cast %broadcast_in_dim3A_1 : vector<16xf32> to vector<1x16xf32>
      tpu.vector_store %arg12[%swap3A_43, %swap3A_44], %swap3A_47 {strides = array<i32>} : memref<100x128xf32, #tpu.memory_space<vmem>>, vector<1x16xf32>,
      %swap3A_48 = arith.index_cast %scan3A_38 : i32 to index
      %swap3A_49 = arith.constant 32 : index
      %swap3A_50 = tpu.vector_load %arg12[%swap3A_48, %swap3A_49] {strides = array<i32>} : memref<100x128xf32, #tpu.memory_space<vmem>>, vector<1x16xf32>,
      %swap3A_51 = vector.shape_cast %swap3A_50 : vector<1x16xf32> to vector<16xf32>
      %swap3A_52 = vector.shape_cast %broadcast_in_dim3A_1 : vector<16xf32> to vector<1x16xf32>
      tpu.vector_store %arg12[%swap3A_48, %swap3A_49], %swap3A_52 {strides = array<i32>} : memref<100x128xf32, #tpu.memory_space<vmem>>, vector<1x16xf32>,
      %swap3A_53 = arith.index_cast %scan3A_38 : i32 to index
      %swap3A_54 = arith.constant 48 : index
      %swap3A_55 = tpu.vector_load %arg12[%swap3A_53, %swap3A_54] {strides = array<i32>} : memref<100x128xf32, #tpu.memory_space<vmem>>, vector<1x16xf32>,
      %swap3A_56 = vector.shape_cast %swap3A_55 : vector<1x16xf32> to vector<16xf32>
      %swap3A_57 = vector.shape_cast %broadcast_in_dim3A_1 : vector<16xf32> to vector<1x16xf32>
      tpu.vector_store %arg12[%swap3A_53, %swap3A_54], %swap3A_57 {strides = array<i32>} : memref<100x128xf32, #tpu.memory_space<vmem>>, vector<1x16xf32>,
      %swap3A_58 = arith.index_cast %scan3A_38 : i32 to index
      %swap3A_59 = arith.constant 64 : index
      %swap3A_60 = tpu.vector_load %arg12[%swap3A_58, %swap3A_59] {strides = array<i32>} : memref<100x128xf32, #tpu.memory_space<vmem>>, vector<1x16xf32>,
      %swap3A_61 = vector.shape_cast %swap3A_60 : vector<1x16xf32> to vector<16xf32>
      %swap3A_62 = vector.shape_cast %broadcast_in_dim3A_1 : vector<16xf32> to vector<1x16xf32>
      tpu.vector_store %arg12[%swap3A_58, %swap3A_59], %swap3A_62 {strides = array<i32>} : memref<100x128xf32, #tpu.memory_space<vmem>>, vector<1x16xf32>,
      %swap3A_63 = arith.index_cast %scan3A_38 : i32 to index
      %swap3A_64 = arith.constant 80 : index
      %swap3A_65 = tpu.vector_load %arg12[%swap3A_63, %swap3A_64] {strides = array<i32>} : memref<100x128xf32, #tpu.memory_space<vmem>>, vector<1x16xf32>,
      %swap3A_66 = vector.shape_cast %swap3A_65 : vector<1x16xf32> to vector<16xf32>
      %swap3A_67 = vector.shape_cast %broadcast_in_dim3A_1 : vector<16xf32> to vector<1x16xf32>
      tpu.vector_store %arg12[%swap3A_63, %swap3A_64], %swap3A_67 {strides = array<i32>} : memref<100x128xf32, #tpu.memory_space<vmem>>, vector<1x16xf32>,
      %swap3A_68 = arith.index_cast %scan3A_38 : i32 to index
      %swap3A_69 = arith.constant 96 : index
      %swap3A_70 = tpu.vector_load %arg12[%swap3A_68, %swap3A_69] {strides = array<i32>} : memref<100x128xf32, #tpu.memory_space<vmem>>, vector<1x16xf32>,
      %swap3A_71 = vector.shape_cast %swap3A_70 : vector<1x16xf32> to vector<16xf32>
      %swap3A_72 = vector.shape_cast %broadcast_in_dim3A_1 : vector<16xf32> to vector<1x16xf32>
      tpu.vector_store %arg12[%swap3A_68, %swap3A_69], %swap3A_72 {strides = array<i32>} : memref<100x128xf32, #tpu.memory_space<vmem>>, vector<1x16xf32>,
      %swap3A_73 = arith.index_cast %scan3A_38 : i32 to index
      %swap3A_74 = arith.constant 112 : index
      %swap3A_75 = tpu.vector_load %arg12[%swap3A_73, %swap3A_74] {strides = array<i32>} : memref<100x128xf32, #tpu.memory_space<vmem>>, vector<1x16xf32>,
      %swap3A_76 = vector.shape_cast %swap3A_75 : vector<1x16xf32> to vector<16xf32>
      %swap3A_77 = vector.shape_cast %broadcast_in_dim3A_1 : vector<16xf32> to vector<1x16xf32>
      tpu.vector_store %arg12[%swap3A_73, %swap3A_74], %swap3A_77 {strides = array<i32>} : memref<100x128xf32, #tpu.memory_space<vmem>>, vector<1x16xf32>,
    }
    %scan3A_12 = arith.constant 100 : i32
    %mul3A_13 = arith.constant 640 : i32
    %mul3A_14 = arith.muli %arg1, %mul3A_13 : i32
    %add3A_15 = arith.constant 0 : i32
    %add3A_16 = arith.addi %mul3A_14, %add3A_15 : i32
    "tpu.region"() ({
      %run_scoped3A = tpu.sem_alloc : memref<!tpu.dma_semaphore, #tpu.memory_space<semaphore_mem>>
      %dma_start3A = arith.constant 0 : i32
      %dma_start3A_38 = arith.constant 0 : i32
      %dma_start3A_39 = tpu.memref_slice %arg12[%dma_start3A, %dma_start3A_38] : memref<100x128xf32, #tpu.memory_space<vmem>> -> memref<80x128xf32, #tpu.memory_space<vmem>>
      %dma_start3A_40 = arith.constant 0 : i32
      %dma_start3A_41 = tpu.memref_slice %arg8[%add3A_16, %dma_start3A_40] : memref<10240x128xf32, #tpu.memory_space<vmem_shared>> -> memref<80x128xf32, #tpu.memory_space<vmem_shared>>
      %dma_start3A_42 = arith.constant 0 : i32
      %dma_start3A_43 = tpu.memref_slice %arg8[%add3A_16, %dma_start3A_42] : memref<10240x128xf32, #tpu.memory_space<vmem_shared>> -> memref<80x128xf32, #tpu.memory_space<vmem_shared>>
      %dma_start3A_44 = arith.constant 0 : i32
      %dma_start3A_45 = arith.constant 0 : i32
      %dma_start3A_46 = tpu.memref_slice %arg12[%dma_start3A_44, %dma_start3A_45] : memref<100x128xf32, #tpu.memory_space<vmem>> -> memref<80x128xf32, #tpu.memory_space<vmem>>
      tpu.enqueue_dma source(%dma_start3A_46 : memref<80x128xf32, #tpu.memory_space<vmem>>) target(%dma_start3A_43 : memref<80x128xf32, #tpu.memory_space<vmem_shared>>) target_semaphore(%run_scoped3A : memref<!tpu.dma_semaphore, #tpu.memory_space<semaphore_mem>>)
      %dma_wait3A = arith.constant 0 : i32
      %dma_wait3A_47 = arith.constant 0 : i32
      %dma_wait3A_48 = tpu.memref_slice %arg12[%dma_wait3A, %dma_wait3A_47] : memref<100x128xf32, #tpu.memory_space<vmem>> -> memref<80x128xf32, #tpu.memory_space<vmem>>
      %dma_wait3A_49 = arith.constant 0 : i32
      %dma_wait3A_50 = tpu.memref_slice %arg8[%add3A_16, %dma_wait3A_49] : memref<10240x128xf32, #tpu.memory_space<vmem_shared>> -> memref<80x128xf32, #tpu.memory_space<vmem_shared>>
      %dma_wait3A_51 = arith.constant 0 : i32
      %dma_wait3A_52 = tpu.memref_slice %arg8[%add3A_16, %dma_wait3A_51] : memref<10240x128xf32, #tpu.memory_space<vmem_shared>> -> memref<80x128xf32, #tpu.memory_space<vmem_shared>>
      %dma_wait3A_53 = arith.constant 0 : i32
      %dma_wait3A_54 = arith.constant 0 : i32
      %dma_wait3A_55 = tpu.memref_slice %arg12[%dma_wait3A_53, %dma_wait3A_54] : memref<100x128xf32, #tpu.memory_space<vmem>> -> memref<80x128xf32, #tpu.memory_space<vmem>>
      tpu.wait_dma2 semaphore(%run_scoped3A : memref<!tpu.dma_semaphore, #tpu.memory_space<semaphore_mem>>) src(%dma_wait3A_55 : memref<80x128xf32, #tpu.memory_space<vmem>>) dst(%dma_wait3A_52 : memref<80x128xf32, #tpu.memory_space<vmem_shared>>)
      tpu.yield
    }) : () -> ()
    %add3A_17 = arith.constant 80 : i32
    %add3A_18 = arith.addi %mul3A_14, %add3A_17 : i32
    "tpu.region"() ({
      %run_scoped3A = tpu.sem_alloc : memref<!tpu.dma_semaphore, #tpu.memory_space<semaphore_mem>>
      %dma_start3A = arith.constant 0 : i32
      %dma_start3A_38 = arith.constant 0 : i32
      %dma_start3A_39 = tpu.memref_slice %arg12[%dma_start3A, %dma_start3A_38] : memref<100x128xf32, #tpu.memory_space<vmem>> -> memref<80x128xf32, #tpu.memory_space<vmem>>
      %dma_start3A_40 = arith.constant 0 : i32
      %dma_start3A_41 = tpu.memref_slice %arg8[%add3A_18, %dma_start3A_40] : memref<10240x128xf32, #tpu.memory_space<vmem_shared>> -> memref<80x128xf32, #tpu.memory_space<vmem_shared>>
      %dma_start3A_42 = arith.constant 0 : i32
      %dma_start3A_43 = tpu.memref_slice %arg8[%add3A_18, %dma_start3A_42] : memref<10240x128xf32, #tpu.memory_space<vmem_shared>> -> memref<80x128xf32, #tpu.memory_space<vmem_shared>>
      %dma_start3A_44 = arith.constant 0 : i32
      %dma_start3A_45 = arith.constant 0 : i32
      %dma_start3A_46 = tpu.memref_slice %arg12[%dma_start3A_44, %dma_start3A_45] : memref<100x128xf32, #tpu.memory_space<vmem>> -> memref<80x128xf32, #tpu.memory_space<vmem>>
      tpu.enqueue_dma source(%dma_start3A_46 : memref<80x128xf32, #tpu.memory_space<vmem>>) target(%dma_start3A_43 : memref<80x128xf32, #tpu.memory_space<vmem_shared>>) target_semaphore(%run_scoped3A : memref<!tpu.dma_semaphore, #tpu.memory_space<semaphore_mem>>)
      %dma_wait3A = arith.constant 0 : i32
      %dma_wait3A_47 = arith.constant 0 : i32
      %dma_wait3A_48 = tpu.memref_slice %arg12[%dma_wait3A, %dma_wait3A_47] : memref<100x128xf32, #tpu.memory_space<vmem>> -> memref<80x128xf32, #tpu.memory_space<vmem>>
      %dma_wait3A_49 = arith.constant 0 : i32
      %dma_wait3A_50 = tpu.memref_slice %arg8[%add3A_18, %dma_wait3A_49] : memref<10240x128xf32, #tpu.memory_space<vmem_shared>> -> memref<80x128xf32, #tpu.memory_space<vmem_shared>>
      %dma_wait3A_51 = arith.constant 0 : i32
      %dma_wait3A_52 = tpu.memref_slice %arg8[%add3A_18, %dma_wait3A_51] : memref<10240x128xf32, #tpu.memory_space<vmem_shared>> -> memref<80x128xf32, #tpu.memory_space<vmem_shared>>
      %dma_wait3A_53 = arith.constant 0 : i32
      %dma_wait3A_54 = arith.constant 0 : i32
      %dma_wait3A_55 = tpu.memref_slice %arg12[%dma_wait3A_53, %dma_wait3A_54] : memref<100x128xf32, #tpu.memory_space<vmem>> -> memref<80x128xf32, #tpu.memory_space<vmem>>
      tpu.wait_dma2 semaphore(%run_scoped3A : memref<!tpu.dma_semaphore, #tpu.memory_space<semaphore_mem>>) src(%dma_wait3A_55 : memref<80x128xf32, #tpu.memory_space<vmem>>) dst(%dma_wait3A_52 : memref<80x128xf32, #tpu.memory_space<vmem_shared>>)
      tpu.yield
    }) : () -> ()
    %add3A_19 = arith.constant 160 : i32
    %add3A_20 = arith.addi %mul3A_14, %add3A_19 : i32
    "tpu.region"() ({
      %run_scoped3A = tpu.sem_alloc : memref<!tpu.dma_semaphore, #tpu.memory_space<semaphore_mem>>
      %dma_start3A = arith.constant 0 : i32
      %dma_start3A_38 = arith.constant 0 : i32
      %dma_start3A_39 = tpu.memref_slice %arg12[%dma_start3A, %dma_start3A_38] : memref<100x128xf32, #tpu.memory_space<vmem>> -> memref<80x128xf32, #tpu.memory_space<vmem>>
      %dma_start3A_40 = arith.constant 0 : i32
      %dma_start3A_41 = tpu.memref_slice %arg8[%add3A_20, %dma_start3A_40] : memref<10240x128xf32, #tpu.memory_space<vmem_shared>> -> memref<80x128xf32, #tpu.memory_space<vmem_shared>>
      %dma_start3A_42 = arith.constant 0 : i32
      %dma_start3A_43 = tpu.memref_slice %arg8[%add3A_20, %dma_start3A_42] : memref<10240x128xf32, #tpu.memory_space<vmem_shared>> -> memref<80x128xf32, #tpu.memory_space<vmem_shared>>
      %dma_start3A_44 = arith.constant 0 : i32
      %dma_start3A_45 = arith.constant 0 : i32
      %dma_start3A_46 = tpu.memref_slice %arg12[%dma_start3A_44, %dma_start3A_45] : memref<100x128xf32, #tpu.memory_space<vmem>> -> memref<80x128xf32, #tpu.memory_space<vmem>>
      tpu.enqueue_dma source(%dma_start3A_46 : memref<80x128xf32, #tpu.memory_space<vmem>>) target(%dma_start3A_43 : memref<80x128xf32, #tpu.memory_space<vmem_shared>>) target_semaphore(%run_scoped3A : memref<!tpu.dma_semaphore, #tpu.memory_space<semaphore_mem>>)
      %dma_wait3A = arith.constant 0 : i32
      %dma_wait3A_47 = arith.constant 0 : i32
      %dma_wait3A_48 = tpu.memref_slice %arg12[%dma_wait3A, %dma_wait3A_47] : memref<100x128xf32, #tpu.memory_space<vmem>> -> memref<80x128xf32, #tpu.memory_space<vmem>>
      %dma_wait3A_49 = arith.constant 0 : i32
      %dma_wait3A_50 = tpu.memref_slice %arg8[%add3A_20, %dma_wait3A_49] : memref<10240x128xf32, #tpu.memory_space<vmem_shared>> -> memref<80x128xf32, #tpu.memory_space<vmem_shared>>
      %dma_wait3A_51 = arith.constant 0 : i32
      %dma_wait3A_52 = tpu.memref_slice %arg8[%add3A_20, %dma_wait3A_51] : memref<10240x128xf32, #tpu.memory_space<vmem_shared>> -> memref<80x128xf32, #tpu.memory_space<vmem_shared>>
      %dma_wait3A_53 = arith.constant 0 : i32
      %dma_wait3A_54 = arith.constant 0 : i32
      %dma_wait3A_55 = tpu.memref_slice %arg12[%dma_wait3A_53, %dma_wait3A_54] : memref<100x128xf32, #tpu.memory_space<vmem>> -> memref<80x128xf32, #tpu.memory_space<vmem>>
      tpu.wait_dma2 semaphore(%run_scoped3A : memref<!tpu.dma_semaphore, #tpu.memory_space<semaphore_mem>>) src(%dma_wait3A_55 : memref<80x128xf32, #tpu.memory_space<vmem>>) dst(%dma_wait3A_52 : memref<80x128xf32, #tpu.memory_space<vmem_shared>>)
      tpu.yield
    }) : () -> ()
    %add3A_21 = arith.constant 240 : i32
    %add3A_22 = arith.addi %mul3A_14, %add3A_21 : i32
    "tpu.region"() ({
      %run_scoped3A = tpu.sem_alloc : memref<!tpu.dma_semaphore, #tpu.memory_space<semaphore_mem>>
      %dma_start3A = arith.constant 0 : i32
      %dma_start3A_38 = arith.constant 0 : i32
      %dma_start3A_39 = tpu.memref_slice %arg12[%dma_start3A, %dma_start3A_38] : memref<100x128xf32, #tpu.memory_space<vmem>> -> memref<80x128xf32, #tpu.memory_space<vmem>>
      %dma_start3A_40 = arith.constant 0 : i32
      %dma_start3A_41 = tpu.memref_slice %arg8[%add3A_22, %dma_start3A_40] : memref<10240x128xf32, #tpu.memory_space<vmem_shared>> -> memref<80x128xf32, #tpu.memory_space<vmem_shared>>
      %dma_start3A_42 = arith.constant 0 : i32
      %dma_start3A_43 = tpu.memref_slice %arg8[%add3A_22, %dma_start3A_42] : memref<10240x128xf32, #tpu.memory_space<vmem_shared>> -> memref<80x128xf32, #tpu.memory_space<vmem_shared>>
      %dma_start3A_44 = arith.constant 0 : i32
      %dma_start3A_45 = arith.constant 0 : i32
      %dma_start3A_46 = tpu.memref_slice %arg12[%dma_start3A_44, %dma_start3A_45] : memref<100x128xf32, #tpu.memory_space<vmem>> -> memref<80x128xf32, #tpu.memory_space<vmem>>
      tpu.enqueue_dma source(%dma_start3A_46 : memref<80x128xf32, #tpu.memory_space<vmem>>) target(%dma_start3A_43 : memref<80x128xf32, #tpu.memory_space<vmem_shared>>) target_semaphore(%run_scoped3A : memref<!tpu.dma_semaphore, #tpu.memory_space<semaphore_mem>>)
      %dma_wait3A = arith.constant 0 : i32
      %dma_wait3A_47 = arith.constant 0 : i32
      %dma_wait3A_48 = tpu.memref_slice %arg12[%dma_wait3A, %dma_wait3A_47] : memref<100x128xf32, #tpu.memory_space<vmem>> -> memref<80x128xf32, #tpu.memory_space<vmem>>
      %dma_wait3A_49 = arith.constant 0 : i32
      %dma_wait3A_50 = tpu.memref_slice %arg8[%add3A_22, %dma_wait3A_49] : memref<10240x128xf32, #tpu.memory_space<vmem_shared>> -> memref<80x128xf32, #tpu.memory_space<vmem_shared>>
      %dma_wait3A_51 = arith.constant 0 : i32
      %dma_wait3A_52 = tpu.memref_slice %arg8[%add3A_22, %dma_wait3A_51] : memref<10240x128xf32, #tpu.memory_space<vmem_shared>> -> memref<80x128xf32, #tpu.memory_space<vmem_shared>>
      %dma_wait3A_53 = arith.constant 0 : i32
      %dma_wait3A_54 = arith.constant 0 : i32
      %dma_wait3A_55 = tpu.memref_slice %arg12[%dma_wait3A_53, %dma_wait3A_54] : memref<100x128xf32, #tpu.memory_space<vmem>> -> memref<80x128xf32, #tpu.memory_space<vmem>>
      tpu.wait_dma2 semaphore(%run_scoped3A : memref<!tpu.dma_semaphore, #tpu.memory_space<semaphore_mem>>) src(%dma_wait3A_55 : memref<80x128xf32, #tpu.memory_space<vmem>>) dst(%dma_wait3A_52 : memref<80x128xf32, #tpu.memory_space<vmem_shared>>)
      tpu.yield
    }) : () -> ()
    %add3A_23 = arith.constant 320 : i32
    %add3A_24 = arith.addi %mul3A_14, %add3A_23 : i32
    "tpu.region"() ({
      %run_scoped3A = tpu.sem_alloc : memref<!tpu.dma_semaphore, #tpu.memory_space<semaphore_mem>>
      %dma_start3A = arith.constant 0 : i32
      %dma_start3A_38 = arith.constant 0 : i32
      %dma_start3A_39 = tpu.memref_slice %arg12[%dma_start3A, %dma_start3A_38] : memref<100x128xf32, #tpu.memory_space<vmem>> -> memref<80x128xf32, #tpu.memory_space<vmem>>
      %dma_start3A_40 = arith.constant 0 : i32
      %dma_start3A_41 = tpu.memref_slice %arg8[%add3A_24, %dma_start3A_40] : memref<10240x128xf32, #tpu.memory_space<vmem_shared>> -> memref<80x128xf32, #tpu.memory_space<vmem_shared>>
      %dma_start3A_42 = arith.constant 0 : i32
      %dma_start3A_43 = tpu.memref_slice %arg8[%add3A_24, %dma_start3A_42] : memref<10240x128xf32, #tpu.memory_space<vmem_shared>> -> memref<80x128xf32, #tpu.memory_space<vmem_shared>>
      %dma_start3A_44 = arith.constant 0 : i32
      %dma_start3A_45 = arith.constant 0 : i32
      %dma_start3A_46 = tpu.memref_slice %arg12[%dma_start3A_44, %dma_start3A_45] : memref<100x128xf32, #tpu.memory_space<vmem>> -> memref<80x128xf32, #tpu.memory_space<vmem>>
      tpu.enqueue_dma source(%dma_start3A_46 : memref<80x128xf32, #tpu.memory_space<vmem>>) target(%dma_start3A_43 : memref<80x128xf32, #tpu.memory_space<vmem_shared>>) target_semaphore(%run_scoped3A : memref<!tpu.dma_semaphore, #tpu.memory_space<semaphore_mem>>)
      %dma_wait3A = arith.constant 0 : i32
      %dma_wait3A_47 = arith.constant 0 : i32
      %dma_wait3A_48 = tpu.memref_slice %arg12[%dma_wait3A, %dma_wait3A_47] : memref<100x128xf32, #tpu.memory_space<vmem>> -> memref<80x128xf32, #tpu.memory_space<vmem>>
      %dma_wait3A_49 = arith.constant 0 : i32
      %dma_wait3A_50 = tpu.memref_slice %arg8[%add3A_24, %dma_wait3A_49] : memref<10240x128xf32, #tpu.memory_space<vmem_shared>> -> memref<80x128xf32, #tpu.memory_space<vmem_shared>>
      %dma_wait3A_51 = arith.constant 0 : i32
      %dma_wait3A_52 = tpu.memref_slice %arg8[%add3A_24, %dma_wait3A_51] : memref<10240x128xf32, #tpu.memory_space<vmem_shared>> -> memref<80x128xf32, #tpu.memory_space<vmem_shared>>
      %dma_wait3A_53 = arith.constant 0 : i32
      %dma_wait3A_54 = arith.constant 0 : i32
      %dma_wait3A_55 = tpu.memref_slice %arg12[%dma_wait3A_53, %dma_wait3A_54] : memref<100x128xf32, #tpu.memory_space<vmem>> -> memref<80x128xf32, #tpu.memory_space<vmem>>
      tpu.wait_dma2 semaphore(%run_scoped3A : memref<!tpu.dma_semaphore, #tpu.memory_space<semaphore_mem>>) src(%dma_wait3A_55 : memref<80x128xf32, #tpu.memory_space<vmem>>) dst(%dma_wait3A_52 : memref<80x128xf32, #tpu.memory_space<vmem_shared>>)
      tpu.yield
    }) : () -> ()
    %add3A_25 = arith.constant 400 : i32
    %add3A_26 = arith.addi %mul3A_14, %add3A_25 : i32
    "tpu.region"() ({
      %run_scoped3A = tpu.sem_alloc : memref<!tpu.dma_semaphore, #tpu.memory_space<semaphore_mem>>
      %dma_start3A = arith.constant 0 : i32
      %dma_start3A_38 = arith.constant 0 : i32
      %dma_start3A_39 = tpu.memref_slice %arg12[%dma_start3A, %dma_start3A_38] : memref<100x128xf32, #tpu.memory_space<vmem>> -> memref<80x128xf32, #tpu.memory_space<vmem>>
      %dma_start3A_40 = arith.constant 0 : i32
      %dma_start3A_41 = tpu.memref_slice %arg8[%add3A_26, %dma_start3A_40] : memref<10240x128xf32, #tpu.memory_space<vmem_shared>> -> memref<80x128xf32, #tpu.memory_space<vmem_shared>>
      %dma_start3A_42 = arith.constant 0 : i32
      %dma_start3A_43 = tpu.memref_slice %arg8[%add3A_26, %dma_start3A_42] : memref<10240x128xf32, #tpu.memory_space<vmem_shared>> -> memref<80x128xf32, #tpu.memory_space<vmem_shared>>
      %dma_start3A_44 = arith.constant 0 : i32
      %dma_start3A_45 = arith.constant 0 : i32
      %dma_start3A_46 = tpu.memref_slice %arg12[%dma_start3A_44, %dma_start3A_45] : memref<100x128xf32, #tpu.memory_space<vmem>> -> memref<80x128xf32, #tpu.memory_space<vmem>>
      tpu.enqueue_dma source(%dma_start3A_46 : memref<80x128xf32, #tpu.memory_space<vmem>>) target(%dma_start3A_43 : memref<80x128xf32, #tpu.memory_space<vmem_shared>>) target_semaphore(%run_scoped3A : memref<!tpu.dma_semaphore, #tpu.memory_space<semaphore_mem>>)
      %dma_wait3A = arith.constant 0 : i32
      %dma_wait3A_47 = arith.constant 0 : i32
      %dma_wait3A_48 = tpu.memref_slice %arg12[%dma_wait3A, %dma_wait3A_47] : memref<100x128xf32, #tpu.memory_space<vmem>> -> memref<80x128xf32, #tpu.memory_space<vmem>>
      %dma_wait3A_49 = arith.constant 0 : i32
      %dma_wait3A_50 = tpu.memref_slice %arg8[%add3A_26, %dma_wait3A_49] : memref<10240x128xf32, #tpu.memory_space<vmem_shared>> -> memref<80x128xf32, #tpu.memory_space<vmem_shared>>
      %dma_wait3A_51 = arith.constant 0 : i32
      %dma_wait3A_52 = tpu.memref_slice %arg8[%add3A_26, %dma_wait3A_51] : memref<10240x128xf32, #tpu.memory_space<vmem_shared>> -> memref<80x128xf32, #tpu.memory_space<vmem_shared>>
      %dma_wait3A_53 = arith.constant 0 : i32
      %dma_wait3A_54 = arith.constant 0 : i32
      %dma_wait3A_55 = tpu.memref_slice %arg12[%dma_wait3A_53, %dma_wait3A_54] : memref<100x128xf32, #tpu.memory_space<vmem>> -> memref<80x128xf32, #tpu.memory_space<vmem>>
      tpu.wait_dma2 semaphore(%run_scoped3A : memref<!tpu.dma_semaphore, #tpu.memory_space<semaphore_mem>>) src(%dma_wait3A_55 : memref<80x128xf32, #tpu.memory_space<vmem>>) dst(%dma_wait3A_52 : memref<80x128xf32, #tpu.memory_space<vmem_shared>>)
      tpu.yield
    }) : () -> ()
    %add3A_27 = arith.constant 480 : i32
    %add3A_28 = arith.addi %mul3A_14, %add3A_27 : i32
    "tpu.region"() ({
      %run_scoped3A = tpu.sem_alloc : memref<!tpu.dma_semaphore, #tpu.memory_space<semaphore_mem>>
      %dma_start3A = arith.constant 0 : i32
      %dma_start3A_38 = arith.constant 0 : i32
      %dma_start3A_39 = tpu.memref_slice %arg12[%dma_start3A, %dma_start3A_38] : memref<100x128xf32, #tpu.memory_space<vmem>> -> memref<80x128xf32, #tpu.memory_space<vmem>>
      %dma_start3A_40 = arith.constant 0 : i32
      %dma_start3A_41 = tpu.memref_slice %arg8[%add3A_28, %dma_start3A_40] : memref<10240x128xf32, #tpu.memory_space<vmem_shared>> -> memref<80x128xf32, #tpu.memory_space<vmem_shared>>
      %dma_start3A_42 = arith.constant 0 : i32
      %dma_start3A_43 = tpu.memref_slice %arg8[%add3A_28, %dma_start3A_42] : memref<10240x128xf32, #tpu.memory_space<vmem_shared>> -> memref<80x128xf32, #tpu.memory_space<vmem_shared>>
      %dma_start3A_44 = arith.constant 0 : i32
      %dma_start3A_45 = arith.constant 0 : i32
      %dma_start3A_46 = tpu.memref_slice %arg12[%dma_start3A_44, %dma_start3A_45] : memref<100x128xf32, #tpu.memory_space<vmem>> -> memref<80x128xf32, #tpu.memory_space<vmem>>
      tpu.enqueue_dma source(%dma_start3A_46 : memref<80x128xf32, #tpu.memory_space<vmem>>) target(%dma_start3A_43 : memref<80x128xf32, #tpu.memory_space<vmem_shared>>) target_semaphore(%run_scoped3A : memref<!tpu.dma_semaphore, #tpu.memory_space<semaphore_mem>>)
      %dma_wait3A = arith.constant 0 : i32
      %dma_wait3A_47 = arith.constant 0 : i32
      %dma_wait3A_48 = tpu.memref_slice %arg12[%dma_wait3A, %dma_wait3A_47] : memref<100x128xf32, #tpu.memory_space<vmem>> -> memref<80x128xf32, #tpu.memory_space<vmem>>
      %dma_wait3A_49 = arith.constant 0 : i32
      %dma_wait3A_50 = tpu.memref_slice %arg8[%add3A_28, %dma_wait3A_49] : memref<10240x128xf32, #tpu.memory_space<vmem_shared>> -> memref<80x128xf32, #tpu.memory_space<vmem_shared>>
      %dma_wait3A_51 = arith.constant 0 : i32
      %dma_wait3A_52 = tpu.memref_slice %arg8[%add3A_28, %dma_wait3A_51] : memref<10240x128xf32, #tpu.memory_space<vmem_shared>> -> memref<80x128xf32, #tpu.memory_space<vmem_shared>>
      %dma_wait3A_53 = arith.constant 0 : i32
      %dma_wait3A_54 = arith.constant 0 : i32
      %dma_wait3A_55 = tpu.memref_slice %arg12[%dma_wait3A_53, %dma_wait3A_54] : memref<100x128xf32, #tpu.memory_space<vmem>> -> memref<80x128xf32, #tpu.memory_space<vmem>>
      tpu.wait_dma2 semaphore(%run_scoped3A : memref<!tpu.dma_semaphore, #tpu.memory_space<semaphore_mem>>) src(%dma_wait3A_55 : memref<80x128xf32, #tpu.memory_space<vmem>>) dst(%dma_wait3A_52 : memref<80x128xf32, #tpu.memory_space<vmem_shared>>)
      tpu.yield
    }) : () -> ()
    %add3A_29 = arith.constant 560 : i32
    %add3A_30 = arith.addi %mul3A_14, %add3A_29 : i32
    "tpu.region"() ({
      %run_scoped3A = tpu.sem_alloc : memref<!tpu.dma_semaphore, #tpu.memory_space<semaphore_mem>>
      %dma_start3A = arith.constant 0 : i32
      %dma_start3A_38 = arith.constant 0 : i32
      %dma_start3A_39 = tpu.memref_slice %arg12[%dma_start3A, %dma_start3A_38] : memref<100x128xf32, #tpu.memory_space<vmem>> -> memref<80x128xf32, #tpu.memory_space<vmem>>
      %dma_start3A_40 = arith.constant 0 : i32
      %dma_start3A_41 = tpu.memref_slice %arg8[%add3A_30, %dma_start3A_40] : memref<10240x128xf32, #tpu.memory_space<vmem_shared>> -> memref<80x128xf32, #tpu.memory_space<vmem_shared>>
      %dma_start3A_42 = arith.constant 0 : i32
      %dma_start3A_43 = tpu.memref_slice %arg8[%add3A_30, %dma_start3A_42] : memref<10240x128xf32, #tpu.memory_space<vmem_shared>> -> memref<80x128xf32, #tpu.memory_space<vmem_shared>>
      %dma_start3A_44 = arith.constant 0 : i32
      %dma_start3A_45 = arith.constant 0 : i32
      %dma_start3A_46 = tpu.memref_slice %arg12[%dma_start3A_44, %dma_start3A_45] : memref<100x128xf32, #tpu.memory_space<vmem>> -> memref<80x128xf32, #tpu.memory_space<vmem>>
      tpu.enqueue_dma source(%dma_start3A_46 : memref<80x128xf32, #tpu.memory_space<vmem>>) target(%dma_start3A_43 : memref<80x128xf32, #tpu.memory_space<vmem_shared>>) target_semaphore(%run_scoped3A : memref<!tpu.dma_semaphore, #tpu.memory_space<semaphore_mem>>)
      %dma_wait3A = arith.constant 0 : i32
      %dma_wait3A_47 = arith.constant 0 : i32
      %dma_wait3A_48 = tpu.memref_slice %arg12[%dma_wait3A, %dma_wait3A_47] : memref<100x128xf32, #tpu.memory_space<vmem>> -> memref<80x128xf32, #tpu.memory_space<vmem>>
      %dma_wait3A_49 = arith.constant 0 : i32
      %dma_wait3A_50 = tpu.memref_slice %arg8[%add3A_30, %dma_wait3A_49] : memref<10240x128xf32, #tpu.memory_space<vmem_shared>> -> memref<80x128xf32, #tpu.memory_space<vmem_shared>>
      %dma_wait3A_51 = arith.constant 0 : i32
      %dma_wait3A_52 = tpu.memref_slice %arg8[%add3A_30, %dma_wait3A_51] : memref<10240x128xf32, #tpu.memory_space<vmem_shared>> -> memref<80x128xf32, #tpu.memory_space<vmem_shared>>
      %dma_wait3A_53 = arith.constant 0 : i32
      %dma_wait3A_54 = arith.constant 0 : i32
      %dma_wait3A_55 = tpu.memref_slice %arg12[%dma_wait3A_53, %dma_wait3A_54] : memref<100x128xf32, #tpu.memory_space<vmem>> -> memref<80x128xf32, #tpu.memory_space<vmem>>
      tpu.wait_dma2 semaphore(%run_scoped3A : memref<!tpu.dma_semaphore, #tpu.memory_space<semaphore_mem>>) src(%dma_wait3A_55 : memref<80x128xf32, #tpu.memory_space<vmem>>) dst(%dma_wait3A_52 : memref<80x128xf32, #tpu.memory_space<vmem_shared>>)
      tpu.yield
    }) : () -> ()
    "tpu.region"() ({
      %run_scoped3A = tpu.sem_alloc : memref<!tpu.dma_semaphore, #tpu.memory_space<semaphore_mem>>
      %dma_start3A = tpu.memref_slice %arg9[%mul3A_14] : memref<10240xf32, #tpu.memory_space<vmem_shared>> -> memref<640xf32, #tpu.memory_space<vmem_shared>>
      %dma_start3A_38 = tpu.memref_slice %arg9[%mul3A_14] : memref<10240xf32, #tpu.memory_space<vmem_shared>> -> memref<640xf32, #tpu.memory_space<vmem_shared>>
      tpu.enqueue_dma source(%arg15 : memref<640xf32, #tpu.memory_space<vmem>>) target(%dma_start3A_38 : memref<640xf32, #tpu.memory_space<vmem_shared>>) target_semaphore(%run_scoped3A : memref<!tpu.dma_semaphore, #tpu.memory_space<semaphore_mem>>)
      %dma_wait3A = tpu.memref_slice %arg9[%mul3A_14] : memref<10240xf32, #tpu.memory_space<vmem_shared>> -> memref<640xf32, #tpu.memory_space<vmem_shared>>
      %dma_wait3A_39 = tpu.memref_slice %arg9[%mul3A_14] : memref<10240xf32, #tpu.memory_space<vmem_shared>> -> memref<640xf32, #tpu.memory_space<vmem_shared>>
      tpu.wait_dma2 semaphore(%run_scoped3A : memref<!tpu.dma_semaphore, #tpu.memory_space<semaphore_mem>>) src(%arg15 : memref<640xf32, #tpu.memory_space<vmem>>) dst(%dma_wait3A_39 : memref<640xf32, #tpu.memory_space<vmem_shared>>)
      tpu.yield
    }) : () -> ()
    %barrier3A = arith.constant 0 : index
    tpu.barrier barrier_id(%barrier3A)
    %scan3A_31 = arith.constant 0 : i32
    %scan3A_32 = arith.constant 0 : i32
    %scan3A_33 = arith.constant 2 : i32
    %scan3A_34 = arith.addi %scan3A_32, %scan3A_33 : i32
    %scan3A_35 = arith.constant 1 : i32
    scf.for %scan3A_38 = %scan3A_32 to %scan3A_34 step %scan3A_35  : i32 {
      "tpu.region"() ({
        %run_scoped3A_74 = tpu.sem_alloc : memref<!tpu.dma_semaphore, #tpu.memory_space<semaphore_mem>>
        %dma_start3A_75 = arith.constant 0 : i32
        %dma_start3A_76 = arith.constant 0 : i32
        %dma_start3A_77 = tpu.memref_slice %arg3[%add3A, %scan3A_38, %dma_start3A_75, %dma_start3A_76] : memref<32x2x50x100xi32, #tpu.memory_space<hbm>> -> memref<1x1x50x100xi32, #tpu.memory_space<hbm>>
        %dma_start3A_78 = tpu.memref_squeeze %dma_start3A_77 : memref<1x1x50x100xi32, #tpu.memory_space<hbm>> -> memref<50x100xi32, #tpu.memory_space<hbm>>
        %dma_start3A_79 = arith.constant 0 : i32
        %dma_start3A_80 = arith.constant 0 : i32
        %dma_start3A_81 = tpu.memref_slice %arg3[%add3A, %scan3A_38, %dma_start3A_79, %dma_start3A_80] : memref<32x2x50x100xi32, #tpu.memory_space<hbm>> -> memref<1x1x50x100xi32, #tpu.memory_space<hbm>>
        %dma_start3A_82 = tpu.memref_squeeze %dma_start3A_81 : memref<1x1x50x100xi32, #tpu.memory_space<hbm>> -> memref<50x100xi32, #tpu.memory_space<hbm>>
        tpu.enqueue_dma source(%dma_start3A_82 : memref<50x100xi32, #tpu.memory_space<hbm>>) target(%arg10 : memref<50x100xi32, #tpu.memory_space<vmem>>) target_semaphore(%run_scoped3A_74 : memref<!tpu.dma_semaphore, #tpu.memory_space<semaphore_mem>>)
        %dma_wait3A_83 = arith.constant 0 : i32
        %dma_wait3A_84 = arith.constant 0 : i32
        %dma_wait3A_85 = tpu.memref_slice %arg3[%add3A, %scan3A_38, %dma_wait3A_83, %dma_wait3A_84] : memref<32x2x50x100xi32, #tpu.memory_space<hbm>> -> memref<1x1x50x100xi32, #tpu.memory_space<hbm>>
        %dma_wait3A_86 = tpu.memref_squeeze %dma_wait3A_85 : memref<1x1x50x100xi32, #tpu.memory_space<hbm>> -> memref<50x100xi32, #tpu.memory_space<hbm>>
        %dma_wait3A_87 = arith.constant 0 : i32
        %dma_wait3A_88 = arith.constant 0 : i32
        %dma_wait3A_89 = tpu.memref_slice %arg3[%add3A, %scan3A_38, %dma_wait3A_87, %dma_wait3A_88] : memref<32x2x50x100xi32, #tpu.memory_space<hbm>> -> memref<1x1x50x100xi32, #tpu.memory_space<hbm>>
        %dma_wait3A_90 = tpu.memref_squeeze %dma_wait3A_89 : memref<1x1x50x100xi32, #tpu.memory_space<hbm>> -> memref<50x100xi32, #tpu.memory_space<hbm>>
        tpu.wait_dma2 semaphore(%run_scoped3A_74 : memref<!tpu.dma_semaphore, #tpu.memory_space<semaphore_mem>>) src(%dma_wait3A_90 : memref<50x100xi32, #tpu.memory_space<hbm>>) dst(%arg10 : memref<50x100xi32, #tpu.memory_space<vmem>>)
        tpu.yield
      }) : () -> ()
      "tpu.region"() ({
        %run_scoped3A_74 = tpu.sem_alloc : memref<!tpu.dma_semaphore, #tpu.memory_space<semaphore_mem>>
        %dma_start3A_75 = arith.constant 0 : i32
        %dma_start3A_76 = arith.constant 0 : i32
        %dma_start3A_77 = tpu.memref_slice %arg4[%add3A, %scan3A_38, %dma_start3A_75, %dma_start3A_76] : memref<32x2x50x100xi32, #tpu.memory_space<hbm>> -> memref<1x1x50x100xi32, #tpu.memory_space<hbm>>
        %dma_start3A_78 = tpu.memref_squeeze %dma_start3A_77 : memref<1x1x50x100xi32, #tpu.memory_space<hbm>> -> memref<50x100xi32, #tpu.memory_space<hbm>>
        %dma_start3A_79 = arith.constant 0 : i32
        %dma_start3A_80 = arith.constant 0 : i32
        %dma_start3A_81 = tpu.memref_slice %arg4[%add3A, %scan3A_38, %dma_start3A_79, %dma_start3A_80] : memref<32x2x50x100xi32, #tpu.memory_space<hbm>> -> memref<1x1x50x100xi32, #tpu.memory_space<hbm>>
        %dma_start3A_82 = tpu.memref_squeeze %dma_start3A_81 : memref<1x1x50x100xi32, #tpu.memory_space<hbm>> -> memref<50x100xi32, #tpu.memory_space<hbm>>
        tpu.enqueue_dma source(%dma_start3A_82 : memref<50x100xi32, #tpu.memory_space<hbm>>) target(%arg11 : memref<50x100xi32, #tpu.memory_space<vmem>>) target_semaphore(%run_scoped3A_74 : memref<!tpu.dma_semaphore, #tpu.memory_space<semaphore_mem>>)
        %dma_wait3A_83 = arith.constant 0 : i32
        %dma_wait3A_84 = arith.constant 0 : i32
        %dma_wait3A_85 = tpu.memref_slice %arg4[%add3A, %scan3A_38, %dma_wait3A_83, %dma_wait3A_84] : memref<32x2x50x100xi32, #tpu.memory_space<hbm>> -> memref<1x1x50x100xi32, #tpu.memory_space<hbm>>
        %dma_wait3A_86 = tpu.memref_squeeze %dma_wait3A_85 : memref<1x1x50x100xi32, #tpu.memory_space<hbm>> -> memref<50x100xi32, #tpu.memory_space<hbm>>
        %dma_wait3A_87 = arith.constant 0 : i32
        %dma_wait3A_88 = arith.constant 0 : i32
        %dma_wait3A_89 = tpu.memref_slice %arg4[%add3A, %scan3A_38, %dma_wait3A_87, %dma_wait3A_88] : memref<32x2x50x100xi32, #tpu.memory_space<hbm>> -> memref<1x1x50x100xi32, #tpu.memory_space<hbm>>
        %dma_wait3A_90 = tpu.memref_squeeze %dma_wait3A_89 : memref<1x1x50x100xi32, #tpu.memory_space<hbm>> -> memref<50x100xi32, #tpu.memory_space<hbm>>
        tpu.wait_dma2 semaphore(%run_scoped3A_74 : memref<!tpu.dma_semaphore, #tpu.memory_space<semaphore_mem>>) src(%dma_wait3A_90 : memref<50x100xi32, #tpu.memory_space<hbm>>) dst(%arg11 : memref<50x100xi32, #tpu.memory_space<vmem>>)
        tpu.yield
      }) : () -> ()
      %dma_start3A = arith.constant 0 : i32
      %dma_start3A_39 = arith.constant 0 : i32
      %dma_start3A_40 = tpu.memref_slice %arg11[%dma_start3A, %dma_start3A_39] : memref<50x100xi32, #tpu.memory_space<vmem>> -> memref<1x100xi32, #tpu.memory_space<vmem>>
      %dma_start3A_41 = tpu.memref_squeeze %dma_start3A_40 : memref<1x100xi32, #tpu.memory_space<vmem>> -> memref<100xi32, #tpu.memory_space<vmem>>
      %dma_start3A_42 = arith.constant 0 : i32
      %dma_start3A_43 = arith.constant 0 : i32
      %dma_start3A_44 = tpu.memref_slice %arg2[%dma_start3A_42, %dma_start3A_43] : memref<10000x128xf32, #tpu.memory_space<hbm>> -> memref<10000x128xf32, #tpu.memory_space<hbm>>
      tpu.enqueue_indirect_dma source(%dma_start3A_44 : memref<10000x128xf32, #tpu.memory_space<hbm>>) target(%arg12 : memref<100x128xf32, #tpu.memory_space<vmem>>) offsets(%dma_start3A_41 : memref<100xi32, #tpu.memory_space<vmem>>) semaphore(%arg16 : memref<!tpu.dma_semaphore, #tpu.memory_space<semaphore_mem>>)
      %scan3A_45 = arith.constant 0 : i32
      %scan3A_46 = arith.constant 0 : i32
      %scan3A_47 = arith.constant 24 : i32
      %scan3A_48 = arith.addi %scan3A_46, %scan3A_47 : i32
      %scan3A_49 = arith.constant 1 : i32
      scf.for %scan3A_74 = %scan3A_46 to %scan3A_48 step %scan3A_49  : i32 {
        %mul3A_75 = arith.constant 2 : i32
        %mul3A_76 = arith.muli %scan3A_74, %mul3A_75 : i32
        %add3A_77 = arith.constant 1 : i32
        %add3A_78 = arith.addi %mul3A_76, %add3A_77 : i32
        %dma_start3A_79 = arith.constant 0 : i32
        %dma_start3A_80 = tpu.memref_slice %arg11[%add3A_78, %dma_start3A_79] : memref<50x100xi32, #tpu.memory_space<vmem>> -> memref<1x100xi32, #tpu.memory_space<vmem>>
        %dma_start3A_81 = tpu.memref_squeeze %dma_start3A_80 : memref<1x100xi32, #tpu.memory_space<vmem>> -> memref<100xi32, #tpu.memory_space<vmem>>
        %dma_start3A_82 = arith.constant 0 : i32
        %dma_start3A_83 = arith.constant 0 : i32
        %dma_start3A_84 = tpu.memref_slice %arg2[%dma_start3A_82, %dma_start3A_83] : memref<10000x128xf32, #tpu.memory_space<hbm>> -> memref<10000x128xf32, #tpu.memory_space<hbm>>
        tpu.enqueue_indirect_dma source(%dma_start3A_84 : memref<10000x128xf32, #tpu.memory_space<hbm>>) target(%arg13 : memref<100x128xf32, #tpu.memory_space<vmem>>) offsets(%dma_start3A_81 : memref<100xi32, #tpu.memory_space<vmem>>) semaphore(%arg17 : memref<!tpu.dma_semaphore, #tpu.memory_space<semaphore_mem>>)
        %dma_wait3A_85 = arith.constant 0 : i32
        %dma_wait3A_86 = tpu.memref_slice %arg11[%mul3A_76, %dma_wait3A_85] : memref<50x100xi32, #tpu.memory_space<vmem>> -> memref<1x100xi32, #tpu.memory_space<vmem>>
        %dma_wait3A_87 = tpu.memref_squeeze %dma_wait3A_86 : memref<1x100xi32, #tpu.memory_space<vmem>> -> memref<100xi32, #tpu.memory_space<vmem>>
        %dma_wait3A_88 = arith.constant 0 : i32
        %dma_wait3A_89 = arith.constant 0 : i32
        %dma_wait3A_90 = tpu.memref_slice %arg2[%dma_wait3A_88, %dma_wait3A_89] : memref<10000x128xf32, #tpu.memory_space<hbm>> -> memref<10000x128xf32, #tpu.memory_space<hbm>>
        tpu.wait_indirect_dma semaphore(%arg16 : memref<!tpu.dma_semaphore, #tpu.memory_space<semaphore_mem>>) src(%dma_wait3A_90 : memref<10000x128xf32, #tpu.memory_space<hbm>>) dst(%arg12 : memref<100x128xf32, #tpu.memory_space<vmem>>)
        "tpu.region"() ({
          %run_scoped3A_109 = tpu.sem_alloc : memref<!tpu.dma_semaphore, #tpu.memory_space<semaphore_mem>>
          %dma_start3A_110 = arith.constant 0 : i32
          %dma_start3A_111 = tpu.memref_slice %arg10[%mul3A_76, %dma_start3A_110] : memref<50x100xi32, #tpu.memory_space<vmem>> -> memref<1x100xi32, #tpu.memory_space<vmem>>
          %dma_start3A_112 = tpu.memref_squeeze %dma_start3A_111 : memref<1x100xi32, #tpu.memory_space<vmem>> -> memref<100xi32, #tpu.memory_space<vmem>>
          %dma_start3A_113 = arith.constant 0 : i32
          %dma_start3A_114 = arith.constant 0 : i32
          %dma_start3A_115 = tpu.memref_slice %arg8[%dma_start3A_113, %dma_start3A_114] : memref<10240x128xf32, #tpu.memory_space<vmem_shared>> -> memref<10240x128xf32, #tpu.memory_space<vmem_shared>>
          tpu.enqueue_indirect_dma source(%arg12 : memref<100x128xf32, #tpu.memory_space<vmem>>) target(%dma_start3A_115 : memref<10240x128xf32, #tpu.memory_space<vmem_shared>>) offsets(%dma_start3A_112 : memref<100xi32, #tpu.memory_space<vmem>>) semaphore(%run_scoped3A_109 : memref<!tpu.dma_semaphore, #tpu.memory_space<semaphore_mem>>) {add = true}
          %dma_wait3A_116 = arith.constant 0 : i32
          %dma_wait3A_117 = tpu.memref_slice %arg10[%mul3A_76, %dma_wait3A_116] : memref<50x100xi32, #tpu.memory_space<vmem>> -> memref<1x100xi32, #tpu.memory_space<vmem>>
          %dma_wait3A_118 = tpu.memref_squeeze %dma_wait3A_117 : memref<1x100xi32, #tpu.memory_space<vmem>> -> memref<100xi32, #tpu.memory_space<vmem>>
          %dma_wait3A_119 = arith.constant 0 : i32
          %dma_wait3A_120 = arith.constant 0 : i32
          %dma_wait3A_121 = tpu.memref_slice %arg8[%dma_wait3A_119, %dma_wait3A_120] : memref<10240x128xf32, #tpu.memory_space<vmem_shared>> -> memref<10240x128xf32, #tpu.memory_space<vmem_shared>>
          tpu.wait_indirect_dma semaphore(%run_scoped3A_109 : memref<!tpu.dma_semaphore, #tpu.memory_space<semaphore_mem>>) src(%arg12 : memref<100x128xf32, #tpu.memory_space<vmem>>) dst(%dma_wait3A_121 : memref<10240x128xf32, #tpu.memory_space<vmem_shared>>)
          tpu.yield
        }) : () -> ()
        "tpu.region"() ({
          %run_scoped3A_109 = tpu.sem_alloc : memref<!tpu.dma_semaphore, #tpu.memory_space<semaphore_mem>>
          %dma_start3A_110 = arith.constant 0 : i32
          %dma_start3A_111 = tpu.memref_slice %arg10[%mul3A_76, %dma_start3A_110] : memref<50x100xi32, #tpu.memory_space<vmem>> -> memref<1x100xi32, #tpu.memory_space<vmem>>
          %dma_start3A_112 = tpu.memref_squeeze %dma_start3A_111 : memref<1x100xi32, #tpu.memory_space<vmem>> -> memref<100xi32, #tpu.memory_space<vmem>>
          %dma_start3A_113 = arith.constant 0 : i32
          %dma_start3A_114 = tpu.memref_slice %arg9[%dma_start3A_113] : memref<10240xf32, #tpu.memory_space<vmem_shared>> -> memref<10240xf32, #tpu.memory_space<vmem_shared>>
          tpu.enqueue_indirect_dma source(%arg14 : memref<100xf32, #tpu.memory_space<vmem>>) target(%dma_start3A_114 : memref<10240xf32, #tpu.memory_space<vmem_shared>>) offsets(%dma_start3A_112 : memref<100xi32, #tpu.memory_space<vmem>>) semaphore(%run_scoped3A_109 : memref<!tpu.dma_semaphore, #tpu.memory_space<semaphore_mem>>) {add = true}
          %dma_wait3A_115 = arith.constant 0 : i32
          %dma_wait3A_116 = tpu.memref_slice %arg10[%mul3A_76, %dma_wait3A_115] : memref<50x100xi32, #tpu.memory_space<vmem>> -> memref<1x100xi32, #tpu.memory_space<vmem>>
          %dma_wait3A_117 = tpu.memref_squeeze %dma_wait3A_116 : memref<1x100xi32, #tpu.memory_space<vmem>> -> memref<100xi32, #tpu.memory_space<vmem>>
          %dma_wait3A_118 = arith.constant 0 : i32
          %dma_wait3A_119 = tpu.memref_slice %arg9[%dma_wait3A_118] : memref<10240xf32, #tpu.memory_space<vmem_shared>> -> memref<10240xf32, #tpu.memory_space<vmem_shared>>
          tpu.wait_indirect_dma semaphore(%run_scoped3A_109 : memref<!tpu.dma_semaphore, #tpu.memory_space<semaphore_mem>>) src(%arg14 : memref<100xf32, #tpu.memory_space<vmem>>) dst(%dma_wait3A_119 : memref<10240xf32, #tpu.memory_space<vmem_shared>>)
          tpu.yield
        }) : () -> ()
        %add3A_91 = arith.constant 2 : i32
        %add3A_92 = arith.addi %mul3A_76, %add3A_91 : i32
        %dma_start3A_93 = arith.constant 0 : i32
        %dma_start3A_94 = tpu.memref_slice %arg11[%add3A_92, %dma_start3A_93] : memref<50x100xi32, #tpu.memory_space<vmem>> -> memref<1x100xi32, #tpu.memory_space<vmem>>
        %dma_start3A_95 = tpu.memref_squeeze %dma_start3A_94 : memref<1x100xi32, #tpu.memory_space<vmem>> -> memref<100xi32, #tpu.memory_space<vmem>>
        %dma_start3A_96 = arith.constant 0 : i32
        %dma_start3A_97 = arith.constant 0 : i32
        %dma_start3A_98 = tpu.memref_slice %arg2[%dma_start3A_96, %dma_start3A_97] : memref<10000x128xf32, #tpu.memory_space<hbm>> -> memref<10000x128xf32, #tpu.memory_space<hbm>>
        tpu.enqueue_indirect_dma source(%dma_start3A_98 : memref<10000x128xf32, #tpu.memory_space<hbm>>) target(%arg12 : memref<100x128xf32, #tpu.memory_space<vmem>>) offsets(%dma_start3A_95 : memref<100xi32, #tpu.memory_space<vmem>>) semaphore(%arg16 : memref<!tpu.dma_semaphore, #tpu.memory_space<semaphore_mem>>)
        %add3A_99 = arith.constant 1 : i32
        %add3A_100 = arith.addi %mul3A_76, %add3A_99 : i32
        %dma_wait3A_101 = arith.constant 0 : i32
        %dma_wait3A_102 = tpu.memref_slice %arg11[%add3A_100, %dma_wait3A_101] : memref<50x100xi32, #tpu.memory_space<vmem>> -> memref<1x100xi32, #tpu.memory_space<vmem>>
        %dma_wait3A_103 = tpu.memref_squeeze %dma_wait3A_102 : memref<1x100xi32, #tpu.memory_space<vmem>> -> memref<100xi32, #tpu.memory_space<vmem>>
        %dma_wait3A_104 = arith.constant 0 : i32
        %dma_wait3A_105 = arith.constant 0 : i32
        %dma_wait3A_106 = tpu.memref_slice %arg2[%dma_wait3A_104, %dma_wait3A_105] : memref<10000x128xf32, #tpu.memory_space<hbm>> -> memref<10000x128xf32, #tpu.memory_space<hbm>>
        tpu.wait_indirect_dma semaphore(%arg17 : memref<!tpu.dma_semaphore, #tpu.memory_space<semaphore_mem>>) src(%dma_wait3A_106 : memref<10000x128xf32, #tpu.memory_space<hbm>>) dst(%arg13 : memref<100x128xf32, #tpu.memory_space<vmem>>)
        %add3A_107 = arith.constant 1 : i32
        %add3A_108 = arith.addi %mul3A_76, %add3A_107 : i32
        "tpu.region"() ({
          %run_scoped3A_109 = tpu.sem_alloc : memref<!tpu.dma_semaphore, #tpu.memory_space<semaphore_mem>>
          %dma_start3A_110 = arith.constant 0 : i32
          %dma_start3A_111 = tpu.memref_slice %arg10[%add3A_108, %dma_start3A_110] : memref<50x100xi32, #tpu.memory_space<vmem>> -> memref<1x100xi32, #tpu.memory_space<vmem>>
          %dma_start3A_112 = tpu.memref_squeeze %dma_start3A_111 : memref<1x100xi32, #tpu.memory_space<vmem>> -> memref<100xi32, #tpu.memory_space<vmem>>
          %dma_start3A_113 = arith.constant 0 : i32
          %dma_start3A_114 = arith.constant 0 : i32
          %dma_start3A_115 = tpu.memref_slice %arg8[%dma_start3A_113, %dma_start3A_114] : memref<10240x128xf32, #tpu.memory_space<vmem_shared>> -> memref<10240x128xf32, #tpu.memory_space<vmem_shared>>
          tpu.enqueue_indirect_dma source(%arg13 : memref<100x128xf32, #tpu.memory_space<vmem>>) target(%dma_start3A_115 : memref<10240x128xf32, #tpu.memory_space<vmem_shared>>) offsets(%dma_start3A_112 : memref<100xi32, #tpu.memory_space<vmem>>) semaphore(%run_scoped3A_109 : memref<!tpu.dma_semaphore, #tpu.memory_space<semaphore_mem>>) {add = true}
          %dma_wait3A_116 = arith.constant 0 : i32
          %dma_wait3A_117 = tpu.memref_slice %arg10[%add3A_108, %dma_wait3A_116] : memref<50x100xi32, #tpu.memory_space<vmem>> -> memref<1x100xi32, #tpu.memory_space<vmem>>
          %dma_wait3A_118 = tpu.memref_squeeze %dma_wait3A_117 : memref<1x100xi32, #tpu.memory_space<vmem>> -> memref<100xi32, #tpu.memory_space<vmem>>
          %dma_wait3A_119 = arith.constant 0 : i32
          %dma_wait3A_120 = arith.constant 0 : i32
          %dma_wait3A_121 = tpu.memref_slice %arg8[%dma_wait3A_119, %dma_wait3A_120] : memref<10240x128xf32, #tpu.memory_space<vmem_shared>> -> memref<10240x128xf32, #tpu.memory_space<vmem_shared>>
          tpu.wait_indirect_dma semaphore(%run_scoped3A_109 : memref<!tpu.dma_semaphore, #tpu.memory_space<semaphore_mem>>) src(%arg13 : memref<100x128xf32, #tpu.memory_space<vmem>>) dst(%dma_wait3A_121 : memref<10240x128xf32, #tpu.memory_space<vmem_shared>>)
          tpu.yield
        }) : () -> ()
        "tpu.region"() ({
          %run_scoped3A_109 = tpu.sem_alloc : memref<!tpu.dma_semaphore, #tpu.memory_space<semaphore_mem>>
          %dma_start3A_110 = arith.constant 0 : i32
          %dma_start3A_111 = tpu.memref_slice %arg10[%add3A_108, %dma_start3A_110] : memref<50x100xi32, #tpu.memory_space<vmem>> -> memref<1x100xi32, #tpu.memory_space<vmem>>
          %dma_start3A_112 = tpu.memref_squeeze %dma_start3A_111 : memref<1x100xi32, #tpu.memory_space<vmem>> -> memref<100xi32, #tpu.memory_space<vmem>>
          %dma_start3A_113 = arith.constant 0 : i32
          %dma_start3A_114 = tpu.memref_slice %arg9[%dma_start3A_113] : memref<10240xf32, #tpu.memory_space<vmem_shared>> -> memref<10240xf32, #tpu.memory_space<vmem_shared>>
          tpu.enqueue_indirect_dma source(%arg14 : memref<100xf32, #tpu.memory_space<vmem>>) target(%dma_start3A_114 : memref<10240xf32, #tpu.memory_space<vmem_shared>>) offsets(%dma_start3A_112 : memref<100xi32, #tpu.memory_space<vmem>>) semaphore(%run_scoped3A_109 : memref<!tpu.dma_semaphore, #tpu.memory_space<semaphore_mem>>) {add = true}
          %dma_wait3A_115 = arith.constant 0 : i32
          %dma_wait3A_116 = tpu.memref_slice %arg10[%add3A_108, %dma_wait3A_115] : memref<50x100xi32, #tpu.memory_space<vmem>> -> memref<1x100xi32, #tpu.memory_space<vmem>>
          %dma_wait3A_117 = tpu.memref_squeeze %dma_wait3A_116 : memref<1x100xi32, #tpu.memory_space<vmem>> -> memref<100xi32, #tpu.memory_space<vmem>>
          %dma_wait3A_118 = arith.constant 0 : i32
          %dma_wait3A_119 = tpu.memref_slice %arg9[%dma_wait3A_118] : memref<10240xf32, #tpu.memory_space<vmem_shared>> -> memref<10240xf32, #tpu.memory_space<vmem_shared>>
          tpu.wait_indirect_dma semaphore(%run_scoped3A_109 : memref<!tpu.dma_semaphore, #tpu.memory_space<semaphore_mem>>) src(%arg14 : memref<100xf32, #tpu.memory_space<vmem>>) dst(%dma_wait3A_119 : memref<10240xf32, #tpu.memory_space<vmem_shared>>)
          tpu.yield
        }) : () -> ()
      }
      %scan3A_50 = arith.constant 24 : i32
      %dma_start3A_51 = arith.constant 49 : i32
      %dma_start3A_52 = arith.constant 0 : i32
      %dma_start3A_53 = tpu.memref_slice %arg11[%dma_start3A_51, %dma_start3A_52] : memref<50x100xi32, #tpu.memory_space<vmem>> -> memref<1x100xi32, #tpu.memory_space<vmem>>
      %dma_start3A_54 = tpu.memref_squeeze %dma_start3A_53 : memref<1x100xi32, #tpu.memory_space<vmem>> -> memref<100xi32, #tpu.memory_space<vmem>>
      %dma_start3A_55 = arith.constant 0 : i32
      %dma_start3A_56 = arith.constant 0 : i32
      %dma_start3A_57 = tpu.memref_slice %arg2[%dma_start3A_55, %dma_start3A_56] : memref<10000x128xf32, #tpu.memory_space<hbm>> -> memref<10000x128xf32, #tpu.memory_space<hbm>>
      tpu.enqueue_indirect_dma source(%dma_start3A_57 : memref<10000x128xf32, #tpu.memory_space<hbm>>) target(%arg13 : memref<100x128xf32, #tpu.memory_space<vmem>>) offsets(%dma_start3A_54 : memref<100xi32, #tpu.memory_space<vmem>>) semaphore(%arg17 : memref<!tpu.dma_semaphore, #tpu.memory_space<semaphore_mem>>)
      %dma_wait3A = arith.constant 48 : i32
      %dma_wait3A_58 = arith.constant 0 : i32
      %dma_wait3A_59 = tpu.memref_slice %arg11[%dma_wait3A, %dma_wait3A_58] : memref<50x100xi32, #tpu.memory_space<vmem>> -> memref<1x100xi32, #tpu.memory_space<vmem>>
      %dma_wait3A_60 = tpu.memref_squeeze %dma_wait3A_59 : memref<1x100xi32, #tpu.memory_space<vmem>> -> memref<100xi32, #tpu.memory_space<vmem>>
      %dma_wait3A_61 = arith.constant 0 : i32
      %dma_wait3A_62 = arith.constant 0 : i32
      %dma_wait3A_63 = tpu.memref_slice %arg2[%dma_wait3A_61, %dma_wait3A_62] : memref<10000x128xf32, #tpu.memory_space<hbm>> -> memref<10000x128xf32, #tpu.memory_space<hbm>>
      tpu.wait_indirect_dma semaphore(%arg16 : memref<!tpu.dma_semaphore, #tpu.memory_space<semaphore_mem>>) src(%dma_wait3A_63 : memref<10000x128xf32, #tpu.memory_space<hbm>>) dst(%arg12 : memref<100x128xf32, #tpu.memory_space<vmem>>)
      %run_scoped3A = arith.constant 48 : i32
      "tpu.region"() ({
        %run_scoped3A_74 = tpu.sem_alloc : memref<!tpu.dma_semaphore, #tpu.memory_space<semaphore_mem>>
        %dma_start3A_75 = arith.constant 0 : i32
        %dma_start3A_76 = tpu.memref_slice %arg10[%run_scoped3A, %dma_start3A_75] : memref<50x100xi32, #tpu.memory_space<vmem>> -> memref<1x100xi32, #tpu.memory_space<vmem>>
        %dma_start3A_77 = tpu.memref_squeeze %dma_start3A_76 : memref<1x100xi32, #tpu.memory_space<vmem>> -> memref<100xi32, #tpu.memory_space<vmem>>
        %dma_start3A_78 = arith.constant 0 : i32
        %dma_start3A_79 = arith.constant 0 : i32
        %dma_start3A_80 = tpu.memref_slice %arg8[%dma_start3A_78, %dma_start3A_79] : memref<10240x128xf32, #tpu.memory_space<vmem_shared>> -> memref<10240x128xf32, #tpu.memory_space<vmem_shared>>
        tpu.enqueue_indirect_dma source(%arg12 : memref<100x128xf32, #tpu.memory_space<vmem>>) target(%dma_start3A_80 : memref<10240x128xf32, #tpu.memory_space<vmem_shared>>) offsets(%dma_start3A_77 : memref<100xi32, #tpu.memory_space<vmem>>) semaphore(%run_scoped3A_74 : memref<!tpu.dma_semaphore, #tpu.memory_space<semaphore_mem>>) {add = true}
        %dma_wait3A_81 = arith.constant 0 : i32
        %dma_wait3A_82 = tpu.memref_slice %arg10[%run_scoped3A, %dma_wait3A_81] : memref<50x100xi32, #tpu.memory_space<vmem>> -> memref<1x100xi32, #tpu.memory_space<vmem>>
        %dma_wait3A_83 = tpu.memref_squeeze %dma_wait3A_82 : memref<1x100xi32, #tpu.memory_space<vmem>> -> memref<100xi32, #tpu.memory_space<vmem>>
        %dma_wait3A_84 = arith.constant 0 : i32
        %dma_wait3A_85 = arith.constant 0 : i32
        %dma_wait3A_86 = tpu.memref_slice %arg8[%dma_wait3A_84, %dma_wait3A_85] : memref<10240x128xf32, #tpu.memory_space<vmem_shared>> -> memref<10240x128xf32, #tpu.memory_space<vmem_shared>>
        tpu.wait_indirect_dma semaphore(%run_scoped3A_74 : memref<!tpu.dma_semaphore, #tpu.memory_space<semaphore_mem>>) src(%arg12 : memref<100x128xf32, #tpu.memory_space<vmem>>) dst(%dma_wait3A_86 : memref<10240x128xf32, #tpu.memory_space<vmem_shared>>)
        tpu.yield
      }) : () -> ()
      %run_scoped3A_64 = arith.constant 48 : i32
      "tpu.region"() ({
        %run_scoped3A_74 = tpu.sem_alloc : memref<!tpu.dma_semaphore, #tpu.memory_space<semaphore_mem>>
        %dma_start3A_75 = arith.constant 0 : i32
        %dma_start3A_76 = tpu.memref_slice %arg10[%run_scoped3A_64, %dma_start3A_75] : memref<50x100xi32, #tpu.memory_space<vmem>> -> memref<1x100xi32, #tpu.memory_space<vmem>>
        %dma_start3A_77 = tpu.memref_squeeze %dma_start3A_76 : memref<1x100xi32, #tpu.memory_space<vmem>> -> memref<100xi32, #tpu.memory_space<vmem>>
        %dma_start3A_78 = arith.constant 0 : i32
        %dma_start3A_79 = tpu.memref_slice %arg9[%dma_start3A_78] : memref<10240xf32, #tpu.memory_space<vmem_shared>> -> memref<10240xf32, #tpu.memory_space<vmem_shared>>
        tpu.enqueue_indirect_dma source(%arg14 : memref<100xf32, #tpu.memory_space<vmem>>) target(%dma_start3A_79 : memref<10240xf32, #tpu.memory_space<vmem_shared>>) offsets(%dma_start3A_77 : memref<100xi32, #tpu.memory_space<vmem>>) semaphore(%run_scoped3A_74 : memref<!tpu.dma_semaphore, #tpu.memory_space<semaphore_mem>>) {add = true}
        %dma_wait3A_80 = arith.constant 0 : i32
        %dma_wait3A_81 = tpu.memref_slice %arg10[%run_scoped3A_64, %dma_wait3A_80] : memref<50x100xi32, #tpu.memory_space<vmem>> -> memref<1x100xi32, #tpu.memory_space<vmem>>
        %dma_wait3A_82 = tpu.memref_squeeze %dma_wait3A_81 : memref<1x100xi32, #tpu.memory_space<vmem>> -> memref<100xi32, #tpu.memory_space<vmem>>
        %dma_wait3A_83 = arith.constant 0 : i32
        %dma_wait3A_84 = tpu.memref_slice %arg9[%dma_wait3A_83] : memref<10240xf32, #tpu.memory_space<vmem_shared>> -> memref<10240xf32, #tpu.memory_space<vmem_shared>>
        tpu.wait_indirect_dma semaphore(%run_scoped3A_74 : memref<!tpu.dma_semaphore, #tpu.memory_space<semaphore_mem>>) src(%arg14 : memref<100xf32, #tpu.memory_space<vmem>>) dst(%dma_wait3A_84 : memref<10240xf32, #tpu.memory_space<vmem_shared>>)
        tpu.yield
      }) : () -> ()
      %dma_wait3A_65 = arith.constant 49 : i32
      %dma_wait3A_66 = arith.constant 0 : i32
      %dma_wait3A_67 = tpu.memref_slice %arg11[%dma_wait3A_65, %dma_wait3A_66] : memref<50x100xi32, #tpu.memory_space<vmem>> -> memref<1x100xi32, #tpu.memory_space<vmem>>
      %dma_wait3A_68 = tpu.memref_squeeze %dma_wait3A_67 : memref<1x100xi32, #tpu.memory_space<vmem>> -> memref<100xi32, #tpu.memory_space<vmem>>
      %dma_wait3A_69 = arith.constant 0 : i32
      %dma_wait3A_70 = arith.constant 0 : i32
      %dma_wait3A_71 = tpu.memref_slice %arg2[%dma_wait3A_69, %dma_wait3A_70] : memref<10000x128xf32, #tpu.memory_space<hbm>> -> memref<10000x128xf32, #tpu.memory_space<hbm>>
      tpu.wait_indirect_dma semaphore(%arg17 : memref<!tpu.dma_semaphore, #tpu.memory_space<semaphore_mem>>) src(%dma_wait3A_71 : memref<10000x128xf32, #tpu.memory_space<hbm>>) dst(%arg13 : memref<100x128xf32, #tpu.memory_space<vmem>>)
      %run_scoped3A_72 = arith.constant 49 : i32
      "tpu.region"() ({
        %run_scoped3A_74 = tpu.sem_alloc : memref<!tpu.dma_semaphore, #tpu.memory_space<semaphore_mem>>
        %dma_start3A_75 = arith.constant 0 : i32
        %dma_start3A_76 = tpu.memref_slice %arg10[%run_scoped3A_72, %dma_start3A_75] : memref<50x100xi32, #tpu.memory_space<vmem>> -> memref<1x100xi32, #tpu.memory_space<vmem>>
        %dma_start3A_77 = tpu.memref_squeeze %dma_start3A_76 : memref<1x100xi32, #tpu.memory_space<vmem>> -> memref<100xi32, #tpu.memory_space<vmem>>
        %dma_start3A_78 = arith.constant 0 : i32
        %dma_start3A_79 = arith.constant 0 : i32
        %dma_start3A_80 = tpu.memref_slice %arg8[%dma_start3A_78, %dma_start3A_79] : memref<10240x128xf32, #tpu.memory_space<vmem_shared>> -> memref<10240x128xf32, #tpu.memory_space<vmem_shared>>
        tpu.enqueue_indirect_dma source(%arg13 : memref<100x128xf32, #tpu.memory_space<vmem>>) target(%dma_start3A_80 : memref<10240x128xf32, #tpu.memory_space<vmem_shared>>) offsets(%dma_start3A_77 : memref<100xi32, #tpu.memory_space<vmem>>) semaphore(%run_scoped3A_74 : memref<!tpu.dma_semaphore, #tpu.memory_space<semaphore_mem>>) {add = true}
        %dma_wait3A_81 = arith.constant 0 : i32
        %dma_wait3A_82 = tpu.memref_slice %arg10[%run_scoped3A_72, %dma_wait3A_81] : memref<50x100xi32, #tpu.memory_space<vmem>> -> memref<1x100xi32, #tpu.memory_space<vmem>>
        %dma_wait3A_83 = tpu.memref_squeeze %dma_wait3A_82 : memref<1x100xi32, #tpu.memory_space<vmem>> -> memref<100xi32, #tpu.memory_space<vmem>>
        %dma_wait3A_84 = arith.constant 0 : i32
        %dma_wait3A_85 = arith.constant 0 : i32
        %dma_wait3A_86 = tpu.memref_slice %arg8[%dma_wait3A_84, %dma_wait3A_85] : memref<10240x128xf32, #tpu.memory_space<vmem_shared>> -> memref<10240x128xf32, #tpu.memory_space<vmem_shared>>
        tpu.wait_indirect_dma semaphore(%run_scoped3A_74 : memref<!tpu.dma_semaphore, #tpu.memory_space<semaphore_mem>>) src(%arg13 : memref<100x128xf32, #tpu.memory_space<vmem>>) dst(%dma_wait3A_86 : memref<10240x128xf32, #tpu.memory_space<vmem_shared>>)
        tpu.yield
      }) : () -> ()
      %run_scoped3A_73 = arith.constant 49 : i32
      "tpu.region"() ({
        %run_scoped3A_74 = tpu.sem_alloc : memref<!tpu.dma_semaphore, #tpu.memory_space<semaphore_mem>>
        %dma_start3A_75 = arith.constant 0 : i32
        %dma_start3A_76 = tpu.memref_slice %arg10[%run_scoped3A_73, %dma_start3A_75] : memref<50x100xi32, #tpu.memory_space<vmem>> -> memref<1x100xi32, #tpu.memory_space<vmem>>
        %dma_start3A_77 = tpu.memref_squeeze %dma_start3A_76 : memref<1x100xi32, #tpu.memory_space<vmem>> -> memref<100xi32, #tpu.memory_space<vmem>>
        %dma_start3A_78 = arith.constant 0 : i32
        %dma_start3A_79 = tpu.memref_slice %arg9[%dma_start3A_78] : memref<10240xf32, #tpu.memory_space<vmem_shared>> -> memref<10240xf32, #tpu.memory_space<vmem_shared>>
        tpu.enqueue_indirect_dma source(%arg14 : memref<100xf32, #tpu.memory_space<vmem>>) target(%dma_start3A_79 : memref<10240xf32, #tpu.memory_space<vmem_shared>>) offsets(%dma_start3A_77 : memref<100xi32, #tpu.memory_space<vmem>>) semaphore(%run_scoped3A_74 : memref<!tpu.dma_semaphore, #tpu.memory_space<semaphore_mem>>) {add = true}
        %dma_wait3A_80 = arith.constant 0 : i32
        %dma_wait3A_81 = tpu.memref_slice %arg10[%run_scoped3A_73, %dma_wait3A_80] : memref<50x100xi32, #tpu.memory_space<vmem>> -> memref<1x100xi32, #tpu.memory_space<vmem>>
        %dma_wait3A_82 = tpu.memref_squeeze %dma_wait3A_81 : memref<1x100xi32, #tpu.memory_space<vmem>> -> memref<100xi32, #tpu.memory_space<vmem>>
        %dma_wait3A_83 = arith.constant 0 : i32
        %dma_wait3A_84 = tpu.memref_slice %arg9[%dma_wait3A_83] : memref<10240xf32, #tpu.memory_space<vmem_shared>> -> memref<10240xf32, #tpu.memory_space<vmem_shared>>
        tpu.wait_indirect_dma semaphore(%run_scoped3A_74 : memref<!tpu.dma_semaphore, #tpu.memory_space<semaphore_mem>>) src(%arg14 : memref<100xf32, #tpu.memory_space<vmem>>) dst(%dma_wait3A_84 : memref<10240xf32, #tpu.memory_space<vmem_shared>>)
        tpu.yield
      }) : () -> ()
    }
    %scan3A_36 = arith.constant 2 : i32
    %barrier3A_37 = arith.constant 0 : index
    tpu.barrier barrier_id(%barrier3A_37)
    "tpu.region"() ({
      %run_scoped3A = tpu.sem_alloc : memref<!tpu.dma_semaphore, #tpu.memory_space<semaphore_mem>>
      %dma_start3A = arith.constant 0 : i32
      %dma_start3A_38 = tpu.memref_slice %arg6[%arg0, %mul3A_14, %dma_start3A] : memref<2x10240x128xf32, #tpu.memory_space<hbm>> -> memref<1x640x128xf32, #tpu.memory_space<hbm>>
      %dma_start3A_39 = tpu.memref_squeeze %dma_start3A_38 : memref<1x640x128xf32, #tpu.memory_space<hbm>> -> memref<640x128xf32, #tpu.memory_space<hbm>>
      %dma_start3A_40 = arith.constant 0 : i32
      %dma_start3A_41 = tpu.memref_slice %arg8[%mul3A_14, %dma_start3A_40] : memref<10240x128xf32, #tpu.memory_space<vmem_shared>> -> memref<640x128xf32, #tpu.memory_space<vmem_shared>>
      tpu.enqueue_dma source(%dma_start3A_41 : memref<640x128xf32, #tpu.memory_space<vmem_shared>>) target(%dma_start3A_39 : memref<640x128xf32, #tpu.memory_space<hbm>>) target_semaphore(%run_scoped3A : memref<!tpu.dma_semaphore, #tpu.memory_space<semaphore_mem>>)
      %dma_wait3A = arith.constant 0 : i32
      %dma_wait3A_42 = tpu.memref_slice %arg6[%arg0, %mul3A_14, %dma_wait3A] : memref<2x10240x128xf32, #tpu.memory_space<hbm>> -> memref<1x640x128xf32, #tpu.memory_space<hbm>>
      %dma_wait3A_43 = tpu.memref_squeeze %dma_wait3A_42 : memref<1x640x128xf32, #tpu.memory_space<hbm>> -> memref<640x128xf32, #tpu.memory_space<hbm>>
      %dma_wait3A_44 = arith.constant 0 : i32
      %dma_wait3A_45 = tpu.memref_slice %arg8[%mul3A_14, %dma_wait3A_44] : memref<10240x128xf32, #tpu.memory_space<vmem_shared>> -> memref<640x128xf32, #tpu.memory_space<vmem_shared>>
      tpu.wait_dma2 semaphore(%run_scoped3A : memref<!tpu.dma_semaphore, #tpu.memory_space<semaphore_mem>>) src(%dma_wait3A_45 : memref<640x128xf32, #tpu.memory_space<vmem_shared>>) dst(%dma_wait3A_43 : memref<640x128xf32, #tpu.memory_space<hbm>>)
      tpu.yield
    }) : () -> ()
    "tpu.region"() ({
      %run_scoped3A = tpu.sem_alloc : memref<!tpu.dma_semaphore, #tpu.memory_space<semaphore_mem>>
      %dma_start3A = tpu.memref_slice %arg7[%arg0, %mul3A_14] : memref<2x10240xf32, #tpu.memory_space<hbm>> -> memref<1x640xf32, #tpu.memory_space<hbm>>
      %dma_start3A_38 = tpu.memref_squeeze %dma_start3A : memref<1x640xf32, #tpu.memory_space<hbm>> -> memref<640xf32, #tpu.memory_space<hbm>>
      %dma_start3A_39 = tpu.memref_slice %arg9[%mul3A_14] : memref<10240xf32, #tpu.memory_space<vmem_shared>> -> memref<640xf32, #tpu.memory_space<vmem_shared>>
      tpu.enqueue_dma source(%dma_start3A_39 : memref<640xf32, #tpu.memory_space<vmem_shared>>) target(%dma_start3A_38 : memref<640xf32, #tpu.memory_space<hbm>>) target_semaphore(%run_scoped3A : memref<!tpu.dma_semaphore, #tpu.memory_space<semaphore_mem>>)
      %dma_wait3A = tpu.memref_slice %arg7[%arg0, %mul3A_14] : memref<2x10240xf32, #tpu.memory_space<hbm>> -> memref<1x640xf32, #tpu.memory_space<hbm>>
      %dma_wait3A_40 = tpu.memref_squeeze %dma_wait3A : memref<1x640xf32, #tpu.memory_space<hbm>> -> memref<640xf32, #tpu.memory_space<hbm>>
      %dma_wait3A_41 = tpu.memref_slice %arg9[%mul3A_14] : memref<10240xf32, #tpu.memory_space<vmem_shared>> -> memref<640xf32, #tpu.memory_space<vmem_shared>>
      tpu.wait_dma2 semaphore(%run_scoped3A : memref<!tpu.dma_semaphore, #tpu.memory_space<semaphore_mem>>) src(%dma_wait3A_41 : memref<640xf32, #tpu.memory_space<vmem_shared>>) dst(%dma_wait3A_40 : memref<640xf32, #tpu.memory_space<hbm>>)
      tpu.yield
    }) : () -> ()
    return
  }
}

module attributes {stable_mosaic.version = 14 : i64} {
  func.func @_tc_body(%arg0: memref<10000x128xf32, #tpu.memory_space<vmem>>, %arg1: memref<2x10240x128xf32, #tpu.memory_space<vmem>>, %arg2: memref<2x10240x1xf32, #tpu.memory_space<vmem>>, %arg3: memref<128x128xf32, #tpu.memory_space<vmem>>, %arg4: memref<1x128xf32, #tpu.memory_space<vmem>>, %arg5: memref<1x128xf32, #tpu.memory_space<vmem>>, %arg6: memref<1x128xf32, #tpu.memory_space<vmem>>, %arg7: memref<10000x128xf32, #tpu.memory_space<vmem>>) attributes {dimension_semantics = [], scalar_prefetch = 0 : i64, scratch_operands = 0 : i64, tpu.core_type = #tpu.core_type<tc>} {
    %get3A = arith.constant 0 : index
    %get3A_0 = arith.constant 0 : index
    %get3A_1 = vector.load %arg0[%get3A, %get3A_0] : memref<10000x128xf32, #tpu.memory_space<vmem>>, vector<10000x128xf32>
    %get3A_2 = arith.constant 0 : index
    %get3A_3 = arith.constant 0 : index
    %get3A_4 = arith.constant 0 : index
    %get3A_5 = vector.load %arg1[%get3A_2, %get3A_3, %get3A_4] : memref<2x10240x128xf32, #tpu.memory_space<vmem>>, vector<1x10000x128xf32>
    %get3A_6 = vector.shape_cast %get3A_5 : vector<1x10000x128xf32> to vector<10000x128xf32>
    %get3A_7 = arith.constant 1 : index
    %get3A_8 = arith.constant 0 : index
    %get3A_9 = arith.constant 0 : index
    %get3A_10 = vector.load %arg1[%get3A_7, %get3A_8, %get3A_9] : memref<2x10240x128xf32, #tpu.memory_space<vmem>>, vector<1x10000x128xf32>
    %get3A_11 = vector.shape_cast %get3A_10 : vector<1x10000x128xf32> to vector<10000x128xf32>
    %add3A = arith.addf %get3A_6, %get3A_11 : vector<10000x128xf32>
    %get3A_12 = arith.constant 0 : index
    %get3A_13 = arith.constant 0 : index
    %get3A_14 = arith.constant 0 : index
    %get3A_15 = vector.load %arg2[%get3A_12, %get3A_13, %get3A_14] : memref<2x10240x1xf32, #tpu.memory_space<vmem>>, vector<1x10000x1xf32>
    %get3A_16 = vector.shape_cast %get3A_15 : vector<1x10000x1xf32> to vector<10000x1xf32>
    %get3A_17 = arith.constant 1 : index
    %get3A_18 = arith.constant 0 : index
    %get3A_19 = arith.constant 0 : index
    %get3A_20 = vector.load %arg2[%get3A_17, %get3A_18, %get3A_19] : memref<2x10240x1xf32, #tpu.memory_space<vmem>>, vector<1x10000x1xf32>
    %get3A_21 = vector.shape_cast %get3A_20 : vector<1x10000x1xf32> to vector<10000x1xf32>
    %add3A_22 = arith.addf %get3A_16, %get3A_21 : vector<10000x1xf32>
    %add3A_23 = arith.constant 9.99999993E-9 : f32
    %add3A_24 = vector.broadcast %add3A_23 : f32 to vector<10000x1xf32>
    %add3A_25 = arith.addf %add3A_22, %add3A_24 : vector<10000x1xf32>
    %div3A = arith.constant 1.000000e+00 : f32
    %div3A_26 = vector.broadcast %div3A : f32 to vector<10000x1xf32>
    %div3A_27 = arith.divf %div3A_26, %add3A_25 : vector<10000x1xf32>
    %mul3A = vector.broadcast %div3A_27 : vector<10000x1xf32> to vector<10000x128xf32>
    %mul3A_28 = arith.mulf %add3A, %mul3A : vector<10000x128xf32>
    %add3A_29 = arith.addf %get3A_1, %mul3A_28 : vector<10000x128xf32>
    %get3A_30 = arith.constant 0 : index
    %get3A_31 = arith.constant 0 : index
    %get3A_32 = vector.load %arg3[%get3A_30, %get3A_31] : memref<128x128xf32, #tpu.memory_space<vmem>>, vector<128x128xf32>
    %dot_general3A = arith.constant dense<0.000000e+00> : vector<10000x128xf32>
    %dot_general3A_33 = tpu.matmul %add3A_29, %get3A_32, %dot_general3A {dimension_numbers = #tpu.dot_dimension_numbers<[1], [1], [0], [0], [0, 0, 1, 0], [], []>, transpose_lhs_hint = false} : vector<10000x128xf32>, vector<128x128xf32>, vector<10000x128xf32> -> vector<10000x128xf32>
    %mul3A_34 = arith.mulf %add3A_22, %div3A_27 : vector<10000x1xf32>
    %add3A_35 = arith.constant 1.000000e+00 : f32
    %add3A_36 = vector.broadcast %add3A_35 : f32 to vector<10000x1xf32>
    %add3A_37 = arith.addf %add3A_36, %mul3A_34 : vector<10000x1xf32>
    %get3A_38 = arith.constant 0 : index
    %get3A_39 = arith.constant 0 : index
    %get3A_40 = vector.load %arg4[%get3A_38, %get3A_39] : memref<1x128xf32, #tpu.memory_space<vmem>>, vector<1x128xf32>
    %mul3A_41 = vector.broadcast %add3A_37 : vector<10000x1xf32> to vector<10000x128xf32>
    %mul3A_42 = vector.broadcast %get3A_40 : vector<1x128xf32> to vector<10000x128xf32>
    %mul3A_43 = arith.mulf %mul3A_41, %mul3A_42 : vector<10000x128xf32>
    %add3A_44 = arith.addf %dot_general3A_33, %mul3A_43 : vector<10000x128xf32>
    %reduce_sum3A = arith.constant dense<0.000000e+00> : vector<128xf32>
    %reduce_sum3A_45 = vector.multi_reduction <add>, %add3A_44, %reduce_sum3A [0] : vector<10000x128xf32> to vector<128xf32>
    %broadcast_in_dim3A = vector.shape_cast %reduce_sum3A_45 : vector<128xf32> to vector<1x128xf32>
    %div3A_46 = arith.constant 1.000000e+04 : f32
    %div3A_47 = vector.broadcast %div3A_46 : f32 to vector<1x128xf32>
    %div3A_48 = arith.divf %broadcast_in_dim3A, %div3A_47 : vector<1x128xf32>
    %sub3A = vector.broadcast %div3A_48 : vector<1x128xf32> to vector<10000x128xf32>
    %sub3A_49 = arith.subf %add3A_44, %sub3A : vector<10000x128xf32>
    %mul3A_50 = arith.mulf %sub3A_49, %sub3A_49 : vector<10000x128xf32>
    %reduce_sum3A_51 = arith.constant dense<0.000000e+00> : vector<128xf32>
    %reduce_sum3A_52 = vector.multi_reduction <add>, %mul3A_50, %reduce_sum3A_51 [0] : vector<10000x128xf32> to vector<128xf32>
    %broadcast_in_dim3A_53 = vector.shape_cast %reduce_sum3A_52 : vector<128xf32> to vector<1x128xf32>
    %div3A_54 = arith.constant 1.000000e+04 : f32
    %div3A_55 = vector.broadcast %div3A_54 : f32 to vector<1x128xf32>
    %div3A_56 = arith.divf %broadcast_in_dim3A_53, %div3A_55 : vector<1x128xf32>
    %add3A_57 = arith.constant 9.99999974E-6 : f32
    %add3A_58 = vector.broadcast %add3A_57 : f32 to vector<1x128xf32>
    %add3A_59 = arith.addf %div3A_56, %add3A_58 : vector<1x128xf32>
    %rsqrt3A = math.rsqrt %add3A_59 : vector<1x128xf32>
    %mul3A_60 = vector.broadcast %rsqrt3A : vector<1x128xf32> to vector<10000x128xf32>
    %mul3A_61 = arith.mulf %sub3A_49, %mul3A_60 : vector<10000x128xf32>
    %get3A_62 = arith.constant 0 : index
    %get3A_63 = arith.constant 0 : index
    %get3A_64 = vector.load %arg5[%get3A_62, %get3A_63] : memref<1x128xf32, #tpu.memory_space<vmem>>, vector<1x128xf32>
    %mul3A_65 = vector.broadcast %get3A_64 : vector<1x128xf32> to vector<10000x128xf32>
    %mul3A_66 = arith.mulf %mul3A_61, %mul3A_65 : vector<10000x128xf32>
    %get3A_67 = arith.constant 0 : index
    %get3A_68 = arith.constant 0 : index
    %get3A_69 = vector.load %arg6[%get3A_67, %get3A_68] : memref<1x128xf32, #tpu.memory_space<vmem>>, vector<1x128xf32>
    %add3A_70 = vector.broadcast %get3A_69 : vector<1x128xf32> to vector<10000x128xf32>
    %add3A_71 = arith.addf %mul3A_66, %add3A_70 : vector<10000x128xf32>
    %swap3A = arith.constant 0 : index
    %swap3A_72 = arith.constant 0 : index
    %swap3A_73 = vector.load %arg7[%swap3A, %swap3A_72] : memref<10000x128xf32, #tpu.memory_space<vmem>>, vector<10000x128xf32>
    tpu.vector_store %arg7[%swap3A, %swap3A_72], %add3A_71 {strides = array<i32>} : memref<10000x128xf32, #tpu.memory_space<vmem>>, vector<10000x128xf32>,
    return
  }
}

</mosaic_0001>

<sc_bundles>
// kernel: kernel.4.cloned.1.call-start
scs
__scs_entry_jumppad:
0x0: {  	(pc) =	sbr.rel $0x88, $3  }
0x1: {  	(tag) =	ssettag $0x0;
	lr =	simm.s32 $0x1  }
0x2: {  	[smem:$0x3F9B] =	sst lr;
	_ =	strace $0xD0000000  }
0x3: {  	_ = 	snop  }
0x4: {  	_ = 	snop  }
0x5: {  	_ = 	snop  }
0x6: {  	_ = 	snop  }
0x7: {  	_ = 	snop  }
__scs_overlays_trampoline_lowered:
0x8: {  	[smem:$0x3FAA] =	sst s0  }
0x9: {  	[smem:$0x3FAB] =	sst s1  }
0xa: {  	[smem:$0x3FAC] =	sst s2  }
0xb: {  	[smem:$0x3FAD] =	sst s3  }
0xc: {  	[smem:$0x3FAE] =	sst s4  }
0xd: {  	[smem:$0x3FAF] =	sst s5  }
0xe: {  	[smem:$0x3FB0] =	sst s6  }
0xf: {  	[smem:$0x3FB1] =	sst s7  }
0x10: {  	[smem:$0x3FB2] =	sst s8  }
0x11: {  	[smem:$0x3FB3] =	sst s9;
	s0 =	simm.s32 @!p0 $0x0  }
0x12: {  	s1 =	sld [smem:$0x3F99];
	s0 =	simm.s32 @p0 $0x1  }
0x13: {  	[smem:$0x3FB4] =	sst s0;
	s0 =	simm.s32 @!p1 $0x0  }
0x14: {  	s2 =	sld [smem:$0x3F98];
	s0 =	simm.s32 @p1 $0x1  }
0x15: {  	[smem:$0x3FB5] =	sst s0;
	s0 =	simm.s32 @!p2 $0x0  }
0x16: {  	s3 =	sld [smem:$0x3FDB];
	s0 =	simm.s32 @p2 $0x1  }
0x17: {  	s4 =	simm.s32 $0x1BF5;
	[smem:$0x3FB7] =	sst s0  }
0x18: {  	s0 =	sld [smem:$0x3F9A];
	_ =	swait.ge [sflag:s4], $0x0  }
0x19: {  	s7 =	sld [smem:$0x3F9B]  }
0x1a: {  	s8 =	sadd.s32 $0xFFFFE003, lr  }
0x1b: {  	s9 =	sadd.s32 $0xFFFFFEF7, lr;
	s5 =	simm.s32 $0xFFFFFFFF;
	p2 =	slt.u32 s8, $0xFFFFF086  }
0x1c: {  	p1 =	slt.u32 s9, $0xF7A;
	s5 =	simm.s32 @!p2 $0x0  }
0x1d: {  	s5 =	simm.s32 @p1 $0x1;
	p0 =	seq.s32 s7, s2  }
0x1e: {  	s7 =	smul.u32 @!p0 $0xF7A, s2;
	p2 =	seq.s32 @!p0 s5, $0x0  }
0x1f: {  	s9 =	smul.u32 $0xF7A, s1;
	s8 =	simm.s32 @!p0 $0x1BF5;
	p2 =	por !p2, p0  }
0x20: {  	[sflag:s8] =	ssyncset.s32 @!p0 $0xFFFFF086;
	s6 =	sadd.s32 @!p0 s3, s7;
	s7 =	simm.s32 @!p0 $0x108  }
0x21: {  	s3 =	sadd.s32 s3, s9;
	s6 =	sadd.s32 @!p0 $0x88, s6;
	s7 =	simm.s32 @p2 $0x1082  }
0x22: {  	[simem:s7], [sflag:s8] =	dma.local @!p0 [hbm:s6], $0xF7A  }
0x23: {  	s9 =	sor.u32 $0xD0000000, s2;
	s6 =	simm.s32 $0x108;
	_ =	swait.ge @!p0 [sflag:s8], $0x0  }
0x24: {  	s3 =	sadd.s32 $0x88, s3;
	s6 =	simm.s32 @!p1 $0x1082;
	[sflag:s4] =	ssyncset.s32 $0xFFFFF086  }
0x25: {  	[simem:s6], [sflag:s4] =	dma.local [hbm:s3], $0xF7A  }
0x26: {  	[smem:$0x3F9B] =	sst s1;
	(tag) =	ssettag s2;
	_ =	strace s9  }
0x27: {  	s1 =	sld [smem:$0x3FAB]  }
0x28: {  	s2 =	sld [smem:$0x3FAC]  }
0x29: {  	s4 =	sld [smem:$0x3FAE]  }
0x2a: {  	p0 =	seq.s32 s5, $0x0;
	s5 =	sld [smem:$0x3FAF]  }
0x2b: {  	s6 =	sld [smem:$0x3FB0]  }
0x2c: {  	s7 =	sld [smem:$0x3FB1]  }
0x2d: {  	s3 =	simm.s32 $0x108;
	s8 =	sld [smem:$0x3FB2]  }
0x2e: {  	s3 =	simm.s32 @!p0 $0x1082;
	s9 =	sld [smem:$0x3FB3]  }
0x2f: {  	lr =	sadd.s32 s0, s3;
	s0 =	sld [smem:$0x3FAA]  }
0x30: {  	s3 =	sld [smem:$0x3FAD]  }
0x31: {  	[smem:$0x3FB6] =	sst s10  }
0x32: {  	s10 =	sld [smem:$0x3FB4];
	_ =	sdelay $0x3  }
0x33: {  	p0 =	seq.s32 s10, $0x1;
	s10 =	sld [smem:$0x3FB6];
	_ =	sdelay $0x3  }
0x34: {  	[smem:$0x3FB6] =	sst s10  }
0x35: {  	s10 =	sld [smem:$0x3FB5];
	_ =	sdelay $0x3  }
0x36: {  	p1 =	seq.s32 s10, $0x1;
	s10 =	sld [smem:$0x3FB6];
	_ =	sdelay $0x3  }
0x37: {  	[smem:$0x3FB6] =	sst s10  }
0x38: {  	s10 =	sld [smem:$0x3FB7]  }
0x39: {  	_ = 	snop;
	(pc) =	sbr.ind lr, $3  }
0x3a: {  	_ = 	snop  }
0x3b: {  	_ = 	snop  }
0x3c: {  	p2 =	seq.s32 s10, $0x1;
	s10 =	sld [smem:$0x3FB6]  }
0x3d: {  	_ =	shalt  }
0x3e: {  	_ =	shalt  }
0x3f: {  	_ =	shalt  }
0x40: {  	_ =	shalt  }
0x41: {  	_ =	shalt  }
0x42: {  	_ =	shalt  }
0x43: {  	_ =	shalt  }
0x44: {  	_ =	shalt  }
0x45: {  	_ =	shalt  }
0x46: {  	_ =	shalt  }
0x47: {  	_ =	shalt  }
0x48: {  	_ =	shalt  }
0x49: {  	_ =	shalt  }
0x4a: {  	_ =	shalt  }
0x4b: {  	_ =	shalt  }
0x4c: {  	_ =	shalt  }
0x4d: {  	_ =	shalt  }
0x4e: {  	_ =	shalt  }
0x4f: {  	_ =	shalt  }
0x50: {  	_ =	shalt  }
0x51: {  	_ =	shalt  }
0x52: {  	_ =	shalt  }
0x53: {  	_ =	shalt  }
0x54: {  	_ =	shalt  }
0x55: {  	_ =	shalt  }
0x56: {  	_ =	shalt  }
0x57: {  	_ =	shalt  }
0x58: {  	_ =	shalt  }
0x59: {  	_ =	shalt  }
0x5a: {  	_ =	shalt  }
0x5b: {  	_ =	shalt  }
0x5c: {  	_ =	shalt  }
0x5d: {  	_ =	shalt  }
0x5e: {  	_ =	shalt  }
0x5f: {  	_ =	shalt  }
0x60: {  	_ =	shalt  }
0x61: {  	_ =	shalt  }
0x62: {  	_ =	shalt  }
0x63: {  	_ =	shalt  }
0x64: {  	_ =	shalt  }
0x65: {  	_ =	shalt  }
0x66: {  	_ =	shalt  }
0x67: {  	_ =	shalt  }
0x68: {  	_ =	shalt  }
0x69: {  	_ =	shalt  }
0x6a: {  	_ =	shalt  }
0x6b: {  	_ =	shalt  }
0x6c: {  	_ =	shalt  }
0x6d: {  	_ =	shalt  }
0x6e: {  	_ =	shalt  }
0x6f: {  	_ =	shalt  }
0x70: {  	_ =	shalt  }
0x71: {  	_ =	shalt  }
0x72: {  	_ =	shalt  }
0x73: {  	_ =	shalt  }
0x74: {  	_ =	shalt  }
0x75: {  	_ =	shalt  }
0x76: {  	_ =	shalt  }
0x77: {  	_ =	shalt  }
0x78: {  	_ =	shalt  }
0x79: {  	_ =	shalt  }
0x7a: {  	_ =	shalt  }
0x7b: {  	_ =	shalt  }
0x7c: {  	_ =	shalt  }
0x7d: {  	_ =	shalt  }
0x7e: {  	_ =	shalt  }
0x7f: {  	_ =	shalt  }
0x80: {  	_ =	shalt  }
0x81: {  	_ =	shalt  }
0x82: {  	_ =	shalt  }
0x83: {  	_ =	shalt  }
0x84: {  	_ =	shalt  }
0x85: {  	_ =	shalt  }
0x86: {  	_ =	shalt  }
0x87: {  	_ =	shalt  }
.Lfunc_end0:
.L_simem_size_0:
called_computation_lowered:
.L_overlay_start_0:
0x88: {  	s2 =	sld [smem:$0x3FD9]  }
0x89: {  	s3 =	sld [smem:$0x3FFE];
	_ =	sdelay $0x1  }
0x8a: {  	s1 =	srdreg.scid  }
0x8b: {  	s0 =	sand.u32 $0x1, s1  }
0x8c: {  	s17 =	sshll.u32 s0, $0xA;
	s2 =	sadd.s32 s3, s2  }
0x8d: {  	s2 =	sadd.s32 s2, s17  }
0x8e: {  	[smem:$0x3FC2] =	sst s2  }
0x8f: {  	_ = 	snop  }
0x90: {  	s2 =	sld [smem:$0x3FC9]  }
0x91: {  	s18 =	sld [smem:$0x3FD0];
	(tm) =	ssettm $0x1  }
0x92: {  	s4 =	sld [smem:$0x3FFB];
	_ =	sdelay $0x3  }
0x93: {  	_ =	strace s4  }
0x94: {  	s4 =	sld [smem:$0x3FFC];
	_ =	sdelay $0x3  }
0x95: {  	_ =	strace s4  }
0x96: {  	s4 =	sld [smem:$0x3FFD];
	_ =	sdelay $0x3  }
0x97: {  	_ =	strace s4  }
0x98: {  	_ =	strace $0x8FFFFFFF  }
0x99: {  	s19 =	sld [smem:$0x3FDB];
	_ =	sdelay $0x1  }
0x9a: {  	s5 =	simm.s32 $_scs_section_size  }
0x9b: {  	s6 =	simm.s32 $_size__tile_overlayer_lowered;
	s7 =	simm.s32 $_tile_overlayer_lowered  }
0x9c: {  	s22 =	simm.s32 $0x1BFF;
	s21 =	sshll.u32 s7, $0x1;
	s4 =	sadd.s32 s5, s19  }
0x9d: {  	s8 =	simm.s32 $0x0;
	s20 =	sshll.u32 s6, $0x1;
	s6 =	sadd.s32 s21, s4  }
0x9e: {  	[timem:s8], [sflag:s22] =	dma.local [hbm:s6], s20  }
0x9f: {  	_ =	swait.ge [sflag:s22], s20  }
0xa0: {  	s5 =	ssub.s32 $0x0, s20;
	[sflag:s22] =	ssyncset.done $0x0  }
0xa1: {  	[sflag:s22] =	ssyncadd.s32 s5;
	_ =	sdelay $0x1  }
0xa2: {  	s23 =	simm.s32 $0x1B8B  }
0xa3: {  	_ =	swait.ge [sflag:s23], $0x1  }
0xa4: {  	[sflag:s23] =	ssyncset.done $0x0  }
0xa5: {  	s25 =	simm.s32 $0x1B8E;
	s24 =	sld [smem:$0x3FFE];
	[sflag:s23] =	ssyncadd.s32 $0xFFFFFFFF  }
0xa6: {  	s26 =	simm.s32 $execute0_lowered;
	[smem:$0x3FD2] =	sst s25  }
0xa7: {  	s6 =	sshll.u32 s26, $0x1;
	_ =	strace $0x80000046;
	[dreg:$0x1] =	wrdreg $0xFFFFFFFF  }
0xa8: {  	s28 =	simm.s32 $_size_execute0_lowered;
	s4 =	sadd.s32 s4, s6;
	[dreg:$0x0] =	wrdreg $0x0  }
0xa9: {  	s6 =	sshll.u32 s28, $0x1;
	[dreg:$0x2] =	wrdreg s4  }
0xaa: {  	[dreg:$0x3] =	wrdreg s6  }
0xab: {  	[dreg:$0x4] =	wrdreg $0xC0  }
0xac: {  	_ =	task [dreg:s8], $0x5FFFF  }
0xad: {  	[dreg:$0x1] =	wrdreg $0xFFFFFFFF  }
0xae: {  	[dreg:$0x0] =	wrdreg $0x60  }
0xaf: {  	[dreg:$0x2] =	wrdreg s2  }
0xb0: {  	[dreg:$0x3] =	wrdreg s18  }
0xb1: {  	[dreg:$0x4] =	wrdreg s24  }
0xb2: {  	[dreg:$0x5] =	wrdreg $0x0  }
0xb3: {  	[dreg:$0x6] =	wrdreg $0x140000  }
0xb4: {  	[dreg:$0x7] =	wrdreg $0x9  }
0xb5: {  	_ =	task.clear_ibuf [dreg:s8], $0x8FFFF;
	_ =	strace $0x90000046  }
0xb6: {  	s29 =	simm.s32 $0x9;
	_ =	strace $0x80000048  }
0xb7: {  	_ =	swait.ge [sflag:s29], $0x1  }
0xb8: {  	[sflag:s29] =	ssyncadd.s32 $0xFFFFFFFF  }
0xb9: {  	_ =	strace $0x90000048  }
0xba: {  	_ =	sfence  }
0xbb: {  	s30 =	sld [smem:$0x0];
	_ =	sdelay $0x2  }
0xbc: {  	s31 =	sshll.u32 s1, $0xD;
	s1 =	sshrl.u32 s1, $0x2  }
0xbd: {  	s3 =	sand.u32 $0x4000, s31;
	s1 =	sadd.s32 s1, s30  }
0xbe: {  	s0 =	sor.u32 s3, s0;
	s1 =	sshll.u32 s1, $0x11  }
0xbf: {  	s0 =	sor.u32 s1, s0  }
0xc0: {  	s0 =	sadd.s32 $0x8F2B, s0  }
0xc1: {  	[sflag:s0] =	ssyncadd.remote.s32 $0x1  }
0xc2: {  	_ =	sfence.sel $0xFFFF  }
0xc3: {  	[dreg:$0x0] =	wrdreg $0xFFFFFFFF;
	(pc) =	sbr.abs _section_cstart, $3  }
0xc4: {  	[dreg:$0x1] =	wrdreg $0xFFFFFFFF  }
0xc5: {  	_ =	task.clear_ibuf [dreg:s8], $0x2FFFF;
	_ =	strace $0x9FFFFFFF  }
0xc6: {  	(tm) =	ssettm $0x7FFFFFFF  }
0xc7: {  	_ =	shalt  }
tec
execute0_lowered:
.L_overlay_start_1:
0x0: {  	(tag) =	ssettag $0x1  }
0x1: {  	s0 =	rddreg [dreg:$0x0]  }
0x2: {  	s1 =	rddreg [dreg:$0x1]  }
0x3: {  	s2 =	rddreg [dreg:$0x2]  }
0x4: {  	s4 =	rddreg [dreg:$0x3];
	s3 =	srdreg.scid  }
0x5: {  	s5 =	rddreg [dreg:$0x4];
	s12 =	stileid.u32;
	s7 =	simm.s32 $0x0  }
0x6: {  	s28 =	simm.s32 $0x15E80;
	s29 =	simm.s32 $0x64;
	s8 =	smul.u32 $0x14000, s12  }
0x7: {  	s30 =	simm.s32 $0x1AE80;
	s31 =	simm.s32 $0x1;
	s9 =	smul.u32 $0x500, s12  }
0x8: {  	s3 =	sand.u32 $0x1, s3;
	[smem:$0x7FF] =	sst s7;
	s16 =	smul.u32 $0x50000, s12  }
0x9: {  	s7 =	sadd.s32 $0x1200, s2;
	s11 =	sadd.s32 $0xF200, s2;
	s22 =	smul.u32 $0xA00, s12  }
0xa: {  	s19 =	sshll.u32 s12, $0x1;
	s6 =	smul.u32 $0x140000, s3;
	_ =	strace $0x80000047  }
0xb: {  	s10 =	sshll.u32 s3, $0x7;
	[dreg:$0x6] =	wrdreg s11;
	s17 =	ssub.s32 $0x2, s3  }
0xc: {  	s3 =	sor.u32 s3, s19;
	s15 =	sor.u32 s10, s9;
	s9 =	sshrl.u32 s16, $0x2  }
0xd: {  	s18 =	sshrl.u32 s17, $0x1;
	s10 =	sshrl.u32 s22, $0x2;
	s9 =	sadd.s32 s9, s4  }
0xe: {  	s22 =	simm.s32 $0x1E280;
	s6 =	sadd.s32 s8, s6;
	s20 =	sadd.s32 $0x2800, s9  }
0xf: {  	s8 =	sshrl.u32 s15, $0x3;
	s21 =	sadd.s32 $0x5000, s9;
	[dreg:$0x7] =	wrdreg s20  }
0x10: {  	s6 =	sshrl.u32 s6, $0x3;
	s23 =	sadd.s32 $0x7800, s9;
	[dreg:$0x8] =	wrdreg s21  }
0x11: {  	s24 =	sadd.s32 $0xA000, s9;
	s25 =	sadd.s32 $0xC800, s9;
	[dreg:$0x9] =	wrdreg s23  }
0x12: {  	s26 =	sadd.s32 $0xF000, s9;
	s16 =	sadd.s32 $0x11800, s9;
	[dreg:$0xa] =	wrdreg s24  }
0x13: {  	s6 =	sadd.s32 s6, s2;
	s2 =	sadd.s32 s8, s2;
	[dreg:$0xb] =	wrdreg s25  }
0x14: {  	s8 =	ssub.s32 s17, s18;
	[dreg:$0xc] =	wrdreg s26;
	s17 =	sadd.s32 s10, s5  }
0x15: {  	s18 =	smul.u32 $0x3800, s3;
	s23 =	simm.s32 $0x3;
	s24 =	simm.s32 $0x17A80  }
0x16: {  	s26 =	simm.s32 $0x14280;
	s25 =	simm.s32 $0x15A80;
	s3 =	simm.s32 $0x15B00  }
0x17: {  	s19 =	sadd.s32 $0xFE00, s6;
	s20 =	sadd.s32 $0xF400, s2;
	s21 =	smax.u32 s8, $0x1  }
0x18: {  	v0 =	vimm.f32 $0.0e+00;
	s2 =	simm.s32 $0x2;
	s6 =	simm.s32 $0x17700;
	s8 =	simm.s32 $0x0  }
.LBB2_1:
0x19: {  	s10 =	simm.s32 $0x0;
	s11 =	rddreg [dreg:$0x6]  }
0x1a: {  	[tilespmem:s22], [sflag:$0x3] =	stream.linear.gather [hbm4b:s11+s10], $0x80, $0x38;
	[tilespmem:$0x1E580] =	vst v63  }
0x1b: {  	_ =	swait.ge [sflag:s23], $0x80  }
0x1c: {  	[sflag:s23] =	ssyncset.done $0x0  }
0x1d: {  	[sflag:s23] =	ssyncadd.s32 $0xFFFFFF80  }
0x1e: {  	[tilespmem:$0x1E300] =	vst v0  }
0x1f: {  	[tilespmem:$0x1E310] =	vst v0  }
0x20: {  	[tilespmem:$0x1E320] =	vst v0  }
0x21: {  	[tilespmem:$0x1E330] =	vst v0  }
0x22: {  	[tilespmem:$0x1E340] =	vst v0  }
0x23: {  	[tilespmem:$0x1E350] =	vst v0  }
0x24: {  	[tilespmem:$0x1E360] =	vst v0  }
0x25: {  	[tilespmem:$0x1E370] =	vst v0  }
0x26: {  	[tilespmem:$0x1E380] =	vst v0  }
0x27: {  	[tilespmem:$0x1E390] =	vst v0  }
0x28: {  	[tilespmem:$0x1E3A0] =	vst v0  }
0x29: {  	[tilespmem:$0x1E3B0] =	vst v0  }
0x2a: {  	[tilespmem:$0x1E3C0] =	vst v0  }
0x2b: {  	[tilespmem:$0x1E3D0] =	vst v0  }
0x2c: {  	[tilespmem:$0x1E3E0] =	vst v0  }
0x2d: {  	[tilespmem:$0x1E3F0] =	vst v0  }
0x2e: {  	[tilespmem:$0x1E400] =	vst v0  }
0x2f: {  	[tilespmem:$0x1E410] =	vst v0  }
0x30: {  	[tilespmem:$0x1E420] =	vst v0  }
0x31: {  	[tilespmem:$0x1E430] =	vst v0  }
0x32: {  	[tilespmem:$0x1E440] =	vst v0  }
0x33: {  	[tilespmem:$0x1E450] =	vst v0  }
0x34: {  	[tilespmem:$0x1E460] =	vst v0  }
0x35: {  	[tilespmem:$0x1E470] =	vst v0  }
0x36: {  	[tilespmem:$0x1E480] =	vst v0  }
0x37: {  	[tilespmem:$0x1E490] =	vst v0  }
0x38: {  	[tilespmem:$0x1E4A0] =	vst v0  }
0x39: {  	[tilespmem:$0x1E4B0] =	vst v0  }
0x3a: {  	[tilespmem:$0x1E4C0] =	vst v0  }
0x3b: {  	[tilespmem:$0x1E4D0] =	vst v0  }
0x3c: {  	[tilespmem:$0x1E4E0] =	vst v0  }
0x3d: {  	[tilespmem:$0x1E4F0] =	vst v0  }
0x3e: {  	[tilespmem:$0x1E500] =	vst v0  }
0x3f: {  	[tilespmem:$0x1E510] =	vst v0  }
0x40: {  	[tilespmem:$0x1E520] =	vst v0  }
0x41: {  	[tilespmem:$0x1E530] =	vst v0  }
0x42: {  	[tilespmem:$0x1E540] =	vst v0  }
0x43: {  	[tilespmem:$0x1E550] =	vst v0  }
0x44: {  	[tilespmem:$0x1E560] =	vst v0  }
0x45: {  	s10 =	simm.s32 $0x0;
	s11 =	simm.s32 $0x200;
	[tilespmem:$0x1E570] =	vst v0  }
.LBB2_2:
0x46: {  	p0 =	sne.s32 s11, $0xC600;
	[tilespmem:s10+$0x17AF0] =	vst v0  }
0x47: {  	[tilespmem:s10+$0x17A80] =	vst v0  }
0x48: {  	[tilespmem:s10+$0x17A90] =	vst v0  }
.Ltmp0:
0x49: {  	[tilespmem:s10+$0x17AA0] =	vst v0;
	(pc) =	sbr.rel @p0 .LBB2_2-.Ltmp0, $4  }
0x4a: {  	[tilespmem:s10+$0x17AB0] =	vst v0  }
0x4b: {  	[tilespmem:s10+$0x17AC0] =	vst v0  }
0x4c: {  	[tilespmem:s10+$0x17AD0] =	vst v0  }
0x4d: {  	[tilespmem:s10+$0x17AE0] =	vst v0;
	s10 =	sshra.s32 s11, $0x2;
	s11 =	sadd.s32 $0x200, s11  }
0x4e: {  	[tilespmem:s10+$0x17AF0] =	vst v0  }
0x4f: {  	[tilespmem:s10+$0x17A80] =	vst v0  }
0x50: {  	[tilespmem:s10+$0x17A90] =	vst v0  }
0x51: {  	[tilespmem:s10+$0x17AA0] =	vst v0  }
0x52: {  	[tilespmem:s10+$0x17AB0] =	vst v0  }
0x53: {  	[tilespmem:s10+$0x17AC0] =	vst v0  }
0x54: {  	[tilespmem:s10+$0x17AD0] =	vst v0  }
0x55: {  	[tilespmem:s10+$0x17AE0] =	vst v0  }
0x56: {  	[spmem:s9] =	stream.linear.scatter [tilespmem:s24], [sflag:$0x3], $0x2800, $0x38;
	[tilespmem:$0x1E580] =	vst v63  }
0x57: {  	_ =	swait.ge [sflag:s23], $0x2800  }
0x58: {  	[sflag:s23] =	ssyncset.done $0x0  }
0x59: {  	s14 =	rddreg [dreg:$0x7];
	[sflag:s23] =	ssyncadd.s32 $0xFFFFD800  }
0x5a: {  	[spmem:s14] =	stream.linear.scatter [tilespmem:s24], [sflag:$0x3], $0x2800, $0x38;
	[tilespmem:$0x1E580] =	vst v63  }
0x5b: {  	_ =	swait.ge [sflag:s23], $0x2800  }
0x5c: {  	[sflag:s23] =	ssyncset.done $0x0  }
0x5d: {  	s15 =	rddreg [dreg:$0x8];
	[sflag:s23] =	ssyncadd.s32 $0xFFFFD800  }
0x5e: {  	[spmem:s15] =	stream.linear.scatter [tilespmem:s24], [sflag:$0x3], $0x2800, $0x38;
	[tilespmem:$0x1E580] =	vst v63  }
0x5f: {  	_ =	swait.ge [sflag:s23], $0x2800  }
0x60: {  	[sflag:s23] =	ssyncset.done $0x0  }
0x61: {  	s11 =	rddreg [dreg:$0x9];
	[sflag:s23] =	ssyncadd.s32 $0xFFFFD800  }
0x62: {  	[spmem:s11] =	stream.linear.scatter [tilespmem:s24], [sflag:$0x3], $0x2800, $0x38;
	[tilespmem:$0x1E580] =	vst v63  }
0x63: {  	_ =	swait.ge [sflag:s23], $0x2800  }
0x64: {  	[sflag:s23] =	ssyncset.done $0x0  }
0x65: {  	s12 =	rddreg [dreg:$0xa];
	[sflag:s23] =	ssyncadd.s32 $0xFFFFD800  }
0x66: {  	[spmem:s12] =	stream.linear.scatter [tilespmem:s24], [sflag:$0x3], $0x2800, $0x38;
	[tilespmem:$0x1E580] =	vst v63  }
0x67: {  	_ =	swait.ge [sflag:s23], $0x2800  }
0x68: {  	[sflag:s23] =	ssyncset.done $0x0  }
0x69: {  	s13 =	rddreg [dreg:$0xb];
	[sflag:s23] =	ssyncadd.s32 $0xFFFFD800  }
0x6a: {  	[spmem:s13] =	stream.linear.scatter [tilespmem:s24], [sflag:$0x3], $0x2800, $0x38;
	[tilespmem:$0x1E580] =	vst v63  }
0x6b: {  	_ =	swait.ge [sflag:s23], $0x2800  }
0x6c: {  	[sflag:s23] =	ssyncset.done $0x0  }
0x6d: {  	s14 =	rddreg [dreg:$0xc];
	[sflag:s23] =	ssyncadd.s32 $0xFFFFD800  }
0x6e: {  	[spmem:s14] =	stream.linear.scatter [tilespmem:s24], [sflag:$0x3], $0x2800, $0x38;
	[tilespmem:$0x1E580] =	vst v63  }
0x6f: {  	_ =	swait.ge [sflag:s23], $0x2800  }
0x70: {  	[sflag:s23] =	ssyncset.done $0x0  }
0x71: {  	[sflag:s23] =	ssyncadd.s32 $0xFFFFD800  }
0x72: {  	[spmem:s16] =	stream.linear.scatter [tilespmem:s24], [sflag:$0x3], $0x2800, $0x38;
	[tilespmem:$0x1E580] =	vst v63  }
0x73: {  	_ =	swait.ge [sflag:s23], $0x2800  }
0x74: {  	[sflag:s23] =	ssyncset.done $0x0  }
0x75: {  	s15 =	simm.s32 $0x1E300;
	[sflag:s23] =	ssyncadd.s32 $0xFFFFD800  }
0x76: {  	[spmem:s17] =	stream.linear.scatter [tilespmem:s15], [sflag:$0x3], $0x280, $0x38;
	[tilespmem:$0x1E580] =	vst v63  }
0x77: {  	_ =	swait.ge [sflag:s23], $0x280  }
0x78: {  	[sflag:s23] =	ssyncset.done $0x0  }
0x79: {  	s10 =	simm.s32 $0x0;
	[sflag:s23] =	ssyncadd.s32 $0xFFFFFD80  }
0x7a: {  	p1 =	por $0x1, $0x1;
	s11 =	simm.s32 $0x0;
	[bflag:$0x0] =	sbarrier.arrive $0xFFFF  }
.LBB2_4:
0x7b: {  	s11 =	sadd.s32 s18, s11  }
0x7c: {  	s11 =	sshrl.u32 s11, $0x3  }
0x7d: {  	s12 =	sadd.s32 s1, s11  }
0x7e: {  	[tilespmem:s26], [sflag:$0x3] =	stream.linear.gather [hbm4b:s12+s10], $0x1900, $0x38;
	[tilespmem:$0x1E580] =	vst v63  }
0x7f: {  	_ =	swait.ge [sflag:s23], $0x1900  }
0x80: {  	[sflag:s23] =	ssyncset.done $0x0  }
0x81: {  	s11 =	sadd.s32 s7, s11;
	[sflag:s23] =	ssyncadd.s32 $0xFFFFE700  }
0x82: {  	[tilespmem:s28], [sflag:$0x3] =	stream.linear.gather [hbm4b:s11+s10], $0x1900, $0x38;
	[tilespmem:$0x1E580] =	vst v63  }
0x83: {  	_ =	swait.ge [sflag:s23], $0x1900  }
0x84: {  	[sflag:s23] =	ssyncset.done $0x0  }
0x85: {  	[sflag:s23] =	ssyncadd.s32 $0xFFFFE700  }
0x86: {  	[tilespmem:s24], [sflag:$0x1] =	stream.indirect.gather [hbm4b:s0+s29], $0x80, s28, s29, $0xb8;
	[tilespmem:$0x1E580] =	vst v63  }
0x87: {  	s12 =	simm.s32 $0x15F00  }
0x88: {  	[tilespmem:s30], [sflag:$0x2] =	stream.indirect.gather [hbm4b:s0+s29], $0x80, s12, s29, $0xb8;
	[tilespmem:$0x1E580] =	vst v63  }
0x89: {  	_ =	swait.ge [sflag:s31], $0x3200  }
0x8a: {  	[sflag:s31] =	ssyncset.done $0x0  }
0x8b: {  	s13 =	simm.s32 $0x14280;
	[sflag:s31] =	ssyncadd.s32 $0xFFFFCE00  }
0x8c: {  	[spmem:s4] =	stream.indirect.scatter.add.f32 [tilespmem:s24], [sflag:$0x3], $0x80, s13, s29, $0xb8;
	[tilespmem:$0x1E580] =	vst v63  }
0x8d: {  	_ =	swait.ge [sflag:s23], $0x3200  }
0x8e: {  	[sflag:s23] =	ssyncset.done $0x0  }
0x8f: {  	[sflag:s23] =	ssyncadd.s32 $0xFFFFCE00  }
0x90: {  	[spmem:s5] =	stream.indirect.scatter.add.f32 [tilespmem:s22], [sflag:$0x3], $0x1, s13, s29, $0xb8;
	[tilespmem:$0x1E580] =	vst v63  }
0x91: {  	_ =	swait.ge [sflag:s23], $0x64  }
0x92: {  	[sflag:s23] =	ssyncset.done $0x0  }
0x93: {  	s14 =	simm.s32 $0x15F80;
	[sflag:s23] =	ssyncadd.s32 $0xFFFFFF9C  }
0x94: {  	[tilespmem:s24], [sflag:$0x1] =	stream.indirect.gather [hbm4b:s0+s29], $0x80, s14, s29, $0xb8;
	[tilespmem:$0x1E580] =	vst v63  }
0x95: {  	_ =	swait.ge [sflag:s2], $0x3200  }
0x96: {  	[sflag:s2] =	ssyncset.done $0x0  }
0x97: {  	s15 =	simm.s32 $0x14300;
	[sflag:s2] =	ssyncadd.s32 $0xFFFFCE00  }
0x98: {  	[spmem:s4] =	stream.indirect.scatter.add.f32 [tilespmem:s30], [sflag:$0x3], $0x80, s15, s29, $0xb8;
	[tilespmem:$0x1E580] =	vst v63  }
0x99: {  	_ =	swait.ge [sflag:s23], $0x3200  }
0x9a: {  	[sflag:s23] =	ssyncset.done $0x0  }
0x9b: {  	[sflag:s23] =	ssyncadd.s32 $0xFFFFCE00  }
0x9c: {  	[spmem:s5] =	stream.indirect.scatter.add.f32 [tilespmem:s22], [sflag:$0x3], $0x1, s15, s29, $0xb8;
	[tilespmem:$0x1E580] =	vst v63  }
0x9d: {  	p0 =	por p1, p1;
	_ =	swait.ge [sflag:s23], $0x64  }
0x9e: {  	s11 =	simm.s32 $0x100;
	s12 =	simm.s32 $0x800;
	[sflag:s23] =	ssyncset.done $0x0  }
.LBB2_5:
0x9f: {  	s13 =	sadd.s32 $0x15F00, s11  }
0xa0: {  	[sflag:s23] =	ssyncadd.s32 $0xFFFFFF9C;
	s14 =	smov.u32 s12;
	s15 =	sadd.s32 $0x400, s12  }
0xa1: {  	[tilespmem:s30], [sflag:$0x2] =	stream.indirect.gather [hbm4b:s0+s29], $0x80, s13, s29, $0xb8;
	[tilespmem:$0x1E580] =	vst v63  }
0xa2: {  	p1 =	sne.s32 s12, $0x5C00;
	_ =	swait.ge [sflag:s31], $0x3200  }
0xa3: {  	[sflag:s31] =	ssyncset.done $0x0  }
0xa4: {  	s12 =	sadd.s32 $0x14280, s11;
	[sflag:s31] =	ssyncadd.s32 $0xFFFFCE00  }
0xa5: {  	[spmem:s4] =	stream.indirect.scatter.add.f32 [tilespmem:s24], [sflag:$0x3], $0x80, s12, s29, $0xb8;
	[tilespmem:$0x1E580] =	vst v63  }
0xa6: {  	_ =	swait.ge [sflag:s23], $0x3200  }
0xa7: {  	[sflag:s23] =	ssyncset.done $0x0  }
0xa8: {  	[sflag:s23] =	ssyncadd.s32 $0xFFFFCE00  }
0xa9: {  	[spmem:s5] =	stream.indirect.scatter.add.f32 [tilespmem:s22], [sflag:$0x3], $0x1, s12, s29, $0xb8;
	[tilespmem:$0x1E580] =	vst v63  }
0xaa: {  	_ =	swait.ge [sflag:s23], $0x64  }
0xab: {  	[sflag:s23] =	ssyncset.done $0x0  }
0xac: {  	s12 =	sadd.s32 $0x15F80, s11;
	[sflag:s23] =	ssyncadd.s32 $0xFFFFFF9C  }
0xad: {  	[tilespmem:s24], [sflag:$0x1] =	stream.indirect.gather [hbm4b:s0+s29], $0x80, s12, s29, $0xb8;
	[tilespmem:$0x1E580] =	vst v63  }
0xae: {  	_ =	swait.ge [sflag:s2], $0x3200  }
0xaf: {  	[sflag:s2] =	ssyncset.done $0x0  }
0xb0: {  	s11 =	sadd.s32 $0x14300, s11;
	[sflag:s2] =	ssyncadd.s32 $0xFFFFCE00  }
0xb1: {  	[spmem:s4] =	stream.indirect.scatter.add.f32 [tilespmem:s30], [sflag:$0x3], $0x80, s11, s29, $0xb8;
	[tilespmem:$0x1E580] =	vst v63  }
0xb2: {  	_ =	swait.ge [sflag:s23], $0x3200  }
.Ltmp1:
0xb3: {  	[sflag:s23] =	ssyncset.done $0x0;
	(pc) =	sbr.rel @p1 .LBB2_5-.Ltmp1, $4  }
0xb4: {  	[sflag:s23] =	ssyncadd.s32 $0xFFFFCE00  }
0xb5: {  	[spmem:s5] =	stream.indirect.scatter.add.f32 [tilespmem:s22], [sflag:$0x3], $0x1, s11, s29, $0xb8;
	[tilespmem:$0x1E580] =	vst v63  }
0xb6: {  	_ =	swait.ge [sflag:s23], $0x64  }
0xb7: {  	s12 =	smov.u32 s15;
	s11 =	sshra.s32 s14, $0x2;
	[sflag:s23] =	ssyncset.done $0x0  }
0xb8: {  	s12 =	sadd.s32 $0x15F00, s11;
	[sflag:s23] =	ssyncadd.s32 $0xFFFFFF9C  }
0xb9: {  	[tilespmem:s30], [sflag:$0x2] =	stream.indirect.gather [hbm4b:s0+s29], $0x80, s12, s29, $0xb8;
	[tilespmem:$0x1E580] =	vst v63  }
0xba: {  	_ =	swait.ge [sflag:s31], $0x3200  }
0xbb: {  	[sflag:s31] =	ssyncset.done $0x0  }
0xbc: {  	s13 =	sadd.s32 $0x14280, s11;
	[sflag:s31] =	ssyncadd.s32 $0xFFFFCE00  }
0xbd: {  	[spmem:s4] =	stream.indirect.scatter.add.f32 [tilespmem:s24], [sflag:$0x3], $0x80, s13, s29, $0xb8;
	[tilespmem:$0x1E580] =	vst v63  }
0xbe: {  	_ =	swait.ge [sflag:s23], $0x3200  }
0xbf: {  	[sflag:s23] =	ssyncset.done $0x0  }
0xc0: {  	[sflag:s23] =	ssyncadd.s32 $0xFFFFCE00  }
0xc1: {  	[spmem:s5] =	stream.indirect.scatter.add.f32 [tilespmem:s22], [sflag:$0x3], $0x1, s13, s29, $0xb8;
	[tilespmem:$0x1E580] =	vst v63  }
0xc2: {  	_ =	swait.ge [sflag:s23], $0x64  }
0xc3: {  	[sflag:s23] =	ssyncset.done $0x0  }
0xc4: {  	s14 =	sadd.s32 $0x15F80, s11;
	[sflag:s23] =	ssyncadd.s32 $0xFFFFFF9C  }
0xc5: {  	[tilespmem:s24], [sflag:$0x1] =	stream.indirect.gather [hbm4b:s0+s29], $0x80, s14, s29, $0xb8;
	[tilespmem:$0x1E580] =	vst v63  }
0xc6: {  	_ =	swait.ge [sflag:s2], $0x3200  }
0xc7: {  	[sflag:s2] =	ssyncset.done $0x0  }
0xc8: {  	s15 =	sadd.s32 $0x14300, s11;
	[sflag:s2] =	ssyncadd.s32 $0xFFFFCE00  }
0xc9: {  	[spmem:s4] =	stream.indirect.scatter.add.f32 [tilespmem:s30], [sflag:$0x3], $0x80, s15, s29, $0xb8;
	[tilespmem:$0x1E580] =	vst v63  }
0xca: {  	_ =	swait.ge [sflag:s23], $0x3200  }
0xcb: {  	[sflag:s23] =	ssyncset.done $0x0  }
0xcc: {  	[sflag:s23] =	ssyncadd.s32 $0xFFFFCE00  }
0xcd: {  	[spmem:s5] =	stream.indirect.scatter.add.f32 [tilespmem:s22], [sflag:$0x3], $0x1, s15, s29, $0xb8;
	[tilespmem:$0x1E580] =	vst v63  }
0xce: {  	_ =	swait.ge [sflag:s23], $0x64  }
0xcf: {  	[sflag:s23] =	ssyncset.done $0x0  }
0xd0: {  	[sflag:s23] =	ssyncadd.s32 $0xFFFFFF9C  }
0xd1: {  	[tilespmem:s30], [sflag:$0x2] =	stream.indirect.gather [hbm4b:s0+s29], $0x80, s6, s29, $0xb8;
	[tilespmem:$0x1E580] =	vst v63  }
0xd2: {  	_ =	swait.ge [sflag:s31], $0x3200  }
0xd3: {  	[sflag:s31] =	ssyncset.done $0x0  }
0xd4: {  	[sflag:s31] =	ssyncadd.s32 $0xFFFFCE00  }
0xd5: {  	[spmem:s4] =	stream.indirect.scatter.add.f32 [tilespmem:s24], [sflag:$0x3], $0x80, s25, s29, $0xb8;
	[tilespmem:$0x1E580] =	vst v63  }
0xd6: {  	_ =	swait.ge [sflag:s23], $0x3200  }
0xd7: {  	[sflag:s23] =	ssyncset.done $0x0  }
0xd8: {  	[sflag:s23] =	ssyncadd.s32 $0xFFFFCE00  }
0xd9: {  	[spmem:s5] =	stream.indirect.scatter.add.f32 [tilespmem:s22], [sflag:$0x3], $0x1, s25, s29, $0xb8;
	[tilespmem:$0x1E580] =	vst v63  }
0xda: {  	_ =	swait.ge [sflag:s23], $0x64  }
0xdb: {  	[sflag:s23] =	ssyncset.done $0x0  }
0xdc: {  	[sflag:s23] =	ssyncadd.s32 $0xFFFFFF9C  }
0xdd: {  	_ =	swait.ge [sflag:s2], $0x3200  }
0xde: {  	[sflag:s2] =	ssyncset.done $0x0  }
0xdf: {  	[sflag:s2] =	ssyncadd.s32 $0xFFFFCE00  }
0xe0: {  	[spmem:s4] =	stream.indirect.scatter.add.f32 [tilespmem:s30], [sflag:$0x3], $0x80, s3, s29, $0xb8;
	[tilespmem:$0x1E580] =	vst v63  }
0xe1: {  	_ =	swait.ge [sflag:s23], $0x3200  }
0xe2: {  	[sflag:s23] =	ssyncset.done $0x0  }
.Ltmp2:
0xe3: {  	[sflag:s23] =	ssyncadd.s32 $0xFFFFCE00;
	(pc) =	sbr.rel @p0 .LBB2_4-.Ltmp2, $4  }
0xe4: {  	[spmem:s5] =	stream.indirect.scatter.add.f32 [tilespmem:s22], [sflag:$0x3], $0x1, s3, s29, $0xb8;
	[tilespmem:$0x1E580] =	vst v63  }
0xe5: {  	_ =	swait.ge [sflag:s23], $0x64  }
0xe6: {  	[sflag:s23] =	ssyncset.done $0x0  }
0xe7: {  	s11 =	simm.s32 $0x1C00;
	p1 =	por $0x0, $0x0;
	[sflag:s23] =	ssyncadd.s32 $0xFFFFFF9C  }
0xe8: {  	s10 =	stileid.u32  }
0xe9: {  	s10 =	sshll.u32 s10, $0x6  }
0xea: {  	[bflag:$0x0] =	sbarrier.arrive $0xFFFF;
	s11 =	sshrl.u32 s9, $0x3;
	s10 =	sor.u32 $0x1C03, s10  }
0xeb: {  	[hbm:s19], [sflag:s10] =	dma.local [spmem:s11], $0x2800  }
0xec: {  	s15 =	sshrl.u32 s17, $0x3;
	s8 =	sadd.s32 $0x1, s8;
	_ =	swait.ge [sflag:s23], $0x2800  }
0xed: {  	s12 =	simm.s32 $0x20;
	p0 =	sne.s32 s8, s21;
	[sflag:s23] =	ssyncset.done $0x0  }
.Ltmp3:
0xee: {  	s13 =	simm.s32 $0x10;
	[sflag:s23] =	ssyncadd.s32 $0xFFFFD800;
	(pc) =	sbr.rel @p0 .LBB2_1-.Ltmp3, $4  }
0xef: {  	[hbm:s20@s12], [sflag:s10] =	dma.strided [spmem:s15@s13], $0x50, s31, $0x10   }
0xf0: {  	_ =	swait.ge [sflag:s23], $0x50  }
0xf1: {  	[sflag:s23] =	ssyncset.done $0x0  }
0xf2: {  	[sflag:s23] =	ssyncadd.s32 $0xFFFFFFB0  }
0xf3: {  	_ =	sfence.sel $0x180000  }
0xf4: {  	[bflag:$0x0] =	sbarrier.arrive $0xFFFF  }
0xf5: {  	_ =	strace $0x90000047  }
0xf6: {  	s0 =	stileid.u32;
	[bflag:$0x2] =	sbarrier.arrive $0xFFFF  }
0xf7: {  	p0 =	sne.s32 s0, $0x0;
	s0 =	rddreg [dreg:$0x5]  }
0xf8: {  	s0 =	sadd.s32 @!p0 $0x100000, s0  }
0xf9: {  	[sflag:s0] =	ssyncadd.tile.s32 @!p0 $0x1;
	_ =	shalt  }
.Lfunc_end2:
_tile_overlayer_lowered:
.L_overlay_start_2:
0xfa: {  	(tag) =	ssettag $0x2  }
0xfb: {  	s0 =	rddreg [dreg:$0x0];
	s2 =	stileid.u32  }
0xfc: {  	s1 =	rddreg [dreg:$0x1];
	p0 =	sne.s32 s2, $0x0  }
0xfd: {  	s3 =	rddreg [dreg:$0x2];
	[bflag:$0x3] =	sbarrier.arrive $0xFFFF;
	s2 =	simm.s32 @!p0 $0x1C03  }
0xfe: {  	[timem:s3], [sflag:s2] =	dma.local @!p0 [hbm:s0], s1  }
0xff: {  	s0 =	simm.s32 @!p0 $0x3  }
0x100: {  	_ =	swait.ge @!p0 [sflag:s0], s1  }
0x101: {  	s1 =	ssub.s32 @!p0 $0x0, s1;
	[sflag:s0] =	ssyncset.done @!p0 $0x0  }
0x102: {  	[sflag:s0] =	ssyncadd.s32 @!p0 s1  }
0x103: {  	[bflag:$0x3] =	sbarrier.arrive $0xFFFF  }
0x104: {  	_ =	shalt  }

</sc_bundles>
